<compile_context>
chip_gen: v7x
topology: tpu7x:2x2x1
jax: 0.10.2.dev20260603
libtpu: 0.0.44.dev20260713+nightly
codegen_flags: <defaults>
</compile_context>

<pallas_src>
import functools

import jax
import jax.numpy as jnp
from jax import lax
from jax.experimental import pallas as pl
from jax.experimental.pallas import tpu as pltpu
from jax.experimental.pallas import tpu_sc as plsc

_info = plsc.get_sparse_core_info()
_NC, _NS = _info.num_cores, _info.num_subcores

_NENT = 1000000
_D = 64
_DPC = _D // _NC
_NL = 10
_B = 16384
_IW = _B // _NS

mesh = plsc.VectorSubcoreMesh(core_axis_name="c", subcore_axis_name="s")


@functools.partial(
    pl.kernel,
    mesh=mesh,
    compiler_params=pltpu.CompilerParams(use_tc_tiling_on_sc=True),
    out_type=jax.ShapeDtypeStruct((_NL * _D, _B), jnp.float32),
    scratch_types=[
        pltpu.VMEM_SHARED((_NENT,), jnp.float32),
        pltpu.VMEM_SHARED((_NENT,), jnp.float32),
        pltpu.VMEM((_IW,), jnp.int32),
        pltpu.VMEM((_IW,), jnp.int32),
        pltpu.VMEM((_IW,), jnp.float32),
        pltpu.VMEM((_IW,), jnp.float32),
        pltpu.SemaphoreType.DMA,
        pltpu.SemaphoreType.DMA,
        pltpu.SemaphoreType.DMA,
        pltpu.SemaphoreType.DMA,
        pltpu.SemaphoreType.DMA,
        pltpu.SemaphoreType.DMA,
        pltpu.SemaphoreType.DMA,
    ],
)
def _emb(t64, idx10, out, spm_a, spm_b, il_a, il_b, gb_a, gb_b,
         sla, slb, sia, sib, sg, soa, sob):
    cid = lax.axis_index("c")
    sid = lax.axis_index("s")
    dbase = cid * _DPC
    ibase = sid * _IW

    spms = (spm_a, spm_b)
    lsems = (sla, slb)
    ils = (il_a, il_b)
    isems = (sia, sib)
    gbs = (gb_a, gb_b)
    osems = (soa, sob)

    def start_load(d, buf, sem):
        @pl.when(sid == 0)
        def _():
            pltpu.async_copy(t64.at[d], buf, sem)

    def drain_load(buf, sem):
        @pl.when(sid == 0)
        def _():
            pltpu.make_async_copy(t64.at[0], buf, sem).wait()

    def issue_il(ft, p):
        pltpu.async_copy(idx10.at[ft].at[pl.ds(ibase, _IW)], ils[p], isems[p])

    def drain_il(p):
        pltpu.make_async_copy(idx10.at[0].at[pl.ds(0, _IW)], ils[p],
                              isems[p]).wait()

    def drain_g(p):
        pltpu.make_async_copy(out.at[0].at[pl.ds(0, _IW)], gbs[p], sg).wait()

    def issue_out(d, ft, p):
        pltpu.async_copy(gbs[p], out.at[ft * _D + d].at[pl.ds(ibase, _IW)],
                         osems[p])

    def drain_out(p):
        pltpu.make_async_copy(out.at[0].at[pl.ds(0, _IW)], gbs[p],
                              osems[p]).wait()

    start_load(dbase, spm_a, sla)
    issue_il(0, 0)

    def d_body(dloc, carry):
        d = dbase + dloc
        for par in range(2):
            @pl.when(lax.rem(dloc, 2) == par)
            def _():
                spm, lsem = spms[par], lsems[par]
                drain_load(spm, lsem)
                plsc.subcore_barrier()
                @pl.when(dloc + 1 < _DPC)
                def _():
                    start_load(d + 1, spms[1 - par], lsems[1 - par])
                for ft in range(_NL):
                    p = ft % 2
                    if ft >= 2:
                        drain_out(p)
                    else:
                        @pl.when(dloc >= 1)
                        def _():
                            drain_out(p)
                    drain_il(p)
                    pltpu.async_copy(spm.at[ils[p]], gbs[p], sg)
                    if ft == 0:
                        issue_il(1, 1)
                    else:
                        drain_g(1 - p)
                        issue_out(d, ft - 1, 1 - p)
                        issue_il(ft + 1 if ft < _NL - 1 else 0, 1 - p)
                drain_g(1)
                issue_out(d, _NL - 1, 1)
                plsc.subcore_barrier()
        return carry

    lax.fori_loop(0, _DPC, d_body, 0)
    drain_il(0)
    drain_out(0)
    drain_out(1)


def kernel(idx, table):
    idx10 = idx.transpose(1, 2, 0).reshape(_NL, _B).astype(jnp.int32)
    out2 = _emb(table.T, idx10)
    return out2.reshape(5, 2, _D, _B).transpose(3, 0, 1, 2)

# --- scband reference (transcript-rebuilt; emitter-appended) ---
"""Pipeline reference for scband-embedding-14843406975201 (READ-ONLY COPY).

The authoritative reference and input builder live on the scoring server;
editing this copy changes nothing except your own understanding.
"""

import jax, jax.numpy as jnp
import numpy as np

NUM_ENT = 1000000
EMB_DIM = 64
BATCH = 16384
FEW = 5


def setup_inputs(seed: int = 0) -> dict:
    key = jax.random.key(seed)
    k1, k2 = jax.random.split(key)
    # idx plays the role of the precomputed [[ent2id[t[0]], ent2id[t[2]]] ...] lookup
    idx = jax.random.randint(k1, (BATCH, FEW, 2), 0, NUM_ENT)
    # nn.Embedding weight with xavier_uniform init
    limit = float(np.sqrt(6.0 / (NUM_ENT + EMB_DIM)))
    table = jax.random.uniform(k2, (NUM_ENT, EMB_DIM), minval=-limit, maxval=limit, dtype=jnp.float32)
    return {"idx": idx, "table": table}


def reference(idx, table):
    # Embedding lookup: table[idx] -> [BATCH, FEW, 2, EMB_DIM]
    return jnp.take(table, idx, axis=0)

if __name__ == "__main__":
    import jax
    _d = setup_inputs()
    print(jax.jit(kernel)(*tuple(_d.values())))

</pallas_src>

<mosaic_0001>
#map = affine_map<(d0, d1) -> (0, 0)>
module attributes {stable_mosaic.version = 14 : i64} {
  func.func @_emb(%arg0: i32, %arg1: i32, %arg2: memref<64x1000000xf32, #tpu.memory_space<hbm>>, %arg3: memref<10x16384xi32, #tpu.memory_space<hbm>>, %arg4: memref<640x16384xf32, #tpu.memory_space<hbm>>, %arg5: memref<1000000xf32, #tpu.memory_space<vmem_shared>>, %arg6: memref<1000000xf32, #tpu.memory_space<vmem_shared>>, %arg7: memref<1024xi32, #tpu.memory_space<vmem>>, %arg8: memref<1024xi32, #tpu.memory_space<vmem>>, %arg9: memref<1024xf32, #tpu.memory_space<vmem>>, %arg10: memref<1024xf32, #tpu.memory_space<vmem>>, %arg11: memref<!tpu.dma_semaphore, #tpu.memory_space<semaphore_mem>>, %arg12: memref<!tpu.dma_semaphore, #tpu.memory_space<semaphore_mem>>, %arg13: memref<!tpu.dma_semaphore, #tpu.memory_space<semaphore_mem>>, %arg14: memref<!tpu.dma_semaphore, #tpu.memory_space<semaphore_mem>>, %arg15: memref<!tpu.dma_semaphore, #tpu.memory_space<semaphore_mem>>, %arg16: memref<!tpu.dma_semaphore, #tpu.memory_space<semaphore_mem>>, %arg17: memref<!tpu.dma_semaphore, #tpu.memory_space<semaphore_mem>>) attributes {dimension_semantics = [#tpu.dimension_semantics<core_parallel>, #tpu.dimension_semantics<subcore_parallel>], iteration_bounds = array<i64: 2, 16>, scalar_prefetch = 0 : i64, scratch_operands = 13 : i64, tpu.core_type = #tpu.core_type<sc_vector_subcore>, window_params = [{transform_indices = #map}, {transform_indices = #map}, {transform_indices = #map}]} {
    %mul3A = arith.constant 32 : i32
    %mul3A_0 = arith.muli %arg0, %mul3A : i32
    %mul3A_1 = arith.constant 1024 : i32
    %mul3A_2 = arith.muli %arg1, %mul3A_1 : i32
    %eq3A = arith.constant 0 : i32
    %eq3A_3 = arith.cmpi eq, %arg1, %eq3A : i32
    %convert_element_type3A = arith.extui %eq3A_3 : i1 to i32
    %cond3A = arith.constant 0 : i32
    %cond3A_4 = arith.cmpi ne, %convert_element_type3A, %cond3A : i32
    scf.if %cond3A_4 {
      %dma_start3A_50 = arith.constant 0 : i32
      %dma_start3A_51 = tpu.memref_slice %arg2[%mul3A_0, %dma_start3A_50] : memref<64x1000000xf32, #tpu.memory_space<hbm>> -> memref<1x1000000xf32, #tpu.memory_space<hbm>>
      %dma_start3A_52 = tpu.memref_squeeze %dma_start3A_51 : memref<1x1000000xf32, #tpu.memory_space<hbm>> -> memref<1000000xf32, #tpu.memory_space<hbm>>
      tpu.enqueue_dma source(%dma_start3A_52 : memref<1000000xf32, #tpu.memory_space<hbm>>) target(%arg5 : memref<1000000xf32, #tpu.memory_space<vmem_shared>>) target_semaphore(%arg11 : memref<!tpu.dma_semaphore, #tpu.memory_space<semaphore_mem>>)
    } else {
    }
    %dma_start3A = arith.constant 0 : i32
    %dma_start3A_5 = arith.constant 0 : i32
    %dma_start3A_6 = tpu.memref_slice %arg3[%dma_start3A, %dma_start3A_5] : memref<10x16384xi32, #tpu.memory_space<hbm>> -> memref<1x16384xi32, #tpu.memory_space<hbm>>
    %dma_start3A_7 = tpu.memref_squeeze %dma_start3A_6 : memref<1x16384xi32, #tpu.memory_space<hbm>> -> memref<16384xi32, #tpu.memory_space<hbm>>
    %dma_start3A_8 = tpu.memref_slice %dma_start3A_7[%mul3A_2] : memref<16384xi32, #tpu.memory_space<hbm>> -> memref<1024xi32, #tpu.memory_space<hbm>>
    %dma_start3A_9 = arith.constant 0 : i32
    %dma_start3A_10 = tpu.memref_slice %arg3[%dma_start3A, %dma_start3A_9] : memref<10x16384xi32, #tpu.memory_space<hbm>> -> memref<1x16384xi32, #tpu.memory_space<hbm>>
    %dma_start3A_11 = tpu.memref_squeeze %dma_start3A_10 : memref<1x16384xi32, #tpu.memory_space<hbm>> -> memref<16384xi32, #tpu.memory_space<hbm>>
    %dma_start3A_12 = tpu.memref_slice %dma_start3A_11[%mul3A_2] : memref<16384xi32, #tpu.memory_space<hbm>> -> memref<1024xi32, #tpu.memory_space<hbm>>
    tpu.enqueue_dma source(%dma_start3A_12 : memref<1024xi32, #tpu.memory_space<hbm>>) target(%arg7 : memref<1024xi32, #tpu.memory_space<vmem>>) target_semaphore(%arg13 : memref<!tpu.dma_semaphore, #tpu.memory_space<semaphore_mem>>)
    %scan3A = arith.constant 0 : i32
    %scan3A_13 = arith.constant 0 : i32
    %scan3A_14 = arith.constant 32 : i32
    %scan3A_15 = arith.addi %scan3A_13, %scan3A_14 : i32
    %scan3A_16 = arith.constant 1 : i32
    scf.for %scan3A_50 = %scan3A_13 to %scan3A_15 step %scan3A_16  : i32 {
      %add3A = arith.addi %mul3A_0, %scan3A_50 : i32
      %rem3A = arith.constant 2 : i32
      %rem3A_51 = arith.remsi %scan3A_50, %rem3A : i32
      %eq3A_52 = arith.constant 0 : i32
      %eq3A_53 = arith.cmpi eq, %rem3A_51, %eq3A_52 : i32
      %convert_element_type3A_54 = arith.extui %eq3A_53 : i1 to i32
      %cond3A_55 = arith.constant 0 : i32
      %cond3A_56 = arith.cmpi ne, %convert_element_type3A_54, %cond3A_55 : i32
      scf.if %cond3A_56 {
        %eq3A_64 = arith.constant 0 : i32
        %eq3A_65 = arith.cmpi eq, %arg1, %eq3A_64 : i32
        %convert_element_type3A_66 = arith.extui %eq3A_65 : i1 to i32
        %cond3A_67 = arith.constant 0 : i32
        %cond3A_68 = arith.cmpi ne, %convert_element_type3A_66, %cond3A_67 : i32
        scf.if %cond3A_68 {
          %dma_wait3A_603 = arith.constant 0 : i32
          %dma_wait3A_604 = arith.constant 0 : i32
          %dma_wait3A_605 = tpu.memref_slice %arg2[%dma_wait3A_603, %dma_wait3A_604] : memref<64x1000000xf32, #tpu.memory_space<hbm>> -> memref<1x1000000xf32, #tpu.memory_space<hbm>>
          %dma_wait3A_606 = tpu.memref_squeeze %dma_wait3A_605 : memref<1x1000000xf32, #tpu.memory_space<hbm>> -> memref<1000000xf32, #tpu.memory_space<hbm>>
          tpu.wait_dma2 semaphore(%arg11 : memref<!tpu.dma_semaphore, #tpu.memory_space<semaphore_mem>>) src(%dma_wait3A_606 : memref<1000000xf32, #tpu.memory_space<hbm>>) dst(%arg5 : memref<1000000xf32, #tpu.memory_space<vmem_shared>>)
        } else {
        }
        %barrier3A = arith.constant 0 : index
        tpu.barrier barrier_id(%barrier3A)
        %add3A_69 = arith.constant 1 : i32
        %add3A_70 = arith.addi %scan3A_50, %add3A_69 : i32
        %lt3A = arith.constant 32 : i32
        %lt3A_71 = arith.cmpi slt, %add3A_70, %lt3A : i32
        %convert_element_type3A_72 = arith.extui %lt3A_71 : i1 to i32
        %cond3A_73 = arith.constant 0 : i32
        %cond3A_74 = arith.cmpi ne, %convert_element_type3A_72, %cond3A_73 : i32
        scf.if %cond3A_74 {
          %add3A_603 = arith.constant 1 : i32
          %add3A_604 = arith.addi %add3A, %add3A_603 : i32
          %eq3A_605 = arith.constant 0 : i32
          %eq3A_606 = arith.cmpi eq, %arg1, %eq3A_605 : i32
          %convert_element_type3A_607 = arith.extui %eq3A_606 : i1 to i32
          %cond3A_608 = arith.constant 0 : i32
          %cond3A_609 = arith.cmpi ne, %convert_element_type3A_607, %cond3A_608 : i32
          scf.if %cond3A_609 {
            %dma_start3A_610 = arith.constant 0 : i32
            %dma_start3A_611 = tpu.memref_slice %arg2[%add3A_604, %dma_start3A_610] : memref<64x1000000xf32, #tpu.memory_space<hbm>> -> memref<1x1000000xf32, #tpu.memory_space<hbm>>
            %dma_start3A_612 = tpu.memref_squeeze %dma_start3A_611 : memref<1x1000000xf32, #tpu.memory_space<hbm>> -> memref<1000000xf32, #tpu.memory_space<hbm>>
            tpu.enqueue_dma source(%dma_start3A_612 : memref<1000000xf32, #tpu.memory_space<hbm>>) target(%arg6 : memref<1000000xf32, #tpu.memory_space<vmem_shared>>) target_semaphore(%arg12 : memref<!tpu.dma_semaphore, #tpu.memory_space<semaphore_mem>>)
          } else {
          }
        } else {
        }
        %ge3A = arith.constant 1 : i32
        %ge3A_75 = arith.cmpi sge, %scan3A_50, %ge3A : i32
        %convert_element_type3A_76 = arith.extui %ge3A_75 : i1 to i32
        %cond3A_77 = arith.constant 0 : i32
        %cond3A_78 = arith.cmpi ne, %convert_element_type3A_76, %cond3A_77 : i32
        scf.if %cond3A_78 {
          %dma_wait3A_603 = arith.constant 0 : i32
          %dma_wait3A_604 = arith.constant 0 : i32
          %dma_wait3A_605 = tpu.memref_slice %arg4[%dma_wait3A_603, %dma_wait3A_604] : memref<640x16384xf32, #tpu.memory_space<hbm>> -> memref<1x16384xf32, #tpu.memory_space<hbm>>
          %dma_wait3A_606 = tpu.memref_squeeze %dma_wait3A_605 : memref<1x16384xf32, #tpu.memory_space<hbm>> -> memref<16384xf32, #tpu.memory_space<hbm>>
          %dma_wait3A_607 = arith.constant 0 : i32
          %dma_wait3A_608 = tpu.memref_slice %dma_wait3A_606[%dma_wait3A_607] : memref<16384xf32, #tpu.memory_space<hbm>> -> memref<1024xf32, #tpu.memory_space<hbm>>
          %dma_wait3A_609 = arith.constant 0 : i32
          %dma_wait3A_610 = tpu.memref_slice %arg4[%dma_wait3A_603, %dma_wait3A_609] : memref<640x16384xf32, #tpu.memory_space<hbm>> -> memref<1x16384xf32, #tpu.memory_space<hbm>>
          %dma_wait3A_611 = tpu.memref_squeeze %dma_wait3A_610 : memref<1x16384xf32, #tpu.memory_space<hbm>> -> memref<16384xf32, #tpu.memory_space<hbm>>
          %dma_wait3A_612 = arith.constant 0 : i32
          %dma_wait3A_613 = tpu.memref_slice %dma_wait3A_611[%dma_wait3A_612] : memref<16384xf32, #tpu.memory_space<hbm>> -> memref<1024xf32, #tpu.memory_space<hbm>>
          tpu.wait_dma2 semaphore(%arg16 : memref<!tpu.dma_semaphore, #tpu.memory_space<semaphore_mem>>) src(%dma_wait3A_613 : memref<1024xf32, #tpu.memory_space<hbm>>) dst(%arg9 : memref<1024xf32, #tpu.memory_space<vmem>>)
        } else {
        }
        %dma_wait3A_79 = arith.constant 0 : i32
        %dma_wait3A_80 = arith.constant 0 : i32
        %dma_wait3A_81 = tpu.memref_slice %arg3[%dma_wait3A_79, %dma_wait3A_80] : memref<10x16384xi32, #tpu.memory_space<hbm>> -> memref<1x16384xi32, #tpu.memory_space<hbm>>
        %dma_wait3A_82 = tpu.memref_squeeze %dma_wait3A_81 : memref<1x16384xi32, #tpu.memory_space<hbm>> -> memref<16384xi32, #tpu.memory_space<hbm>>
        %dma_wait3A_83 = arith.constant 0 : i32
        %dma_wait3A_84 = tpu.memref_slice %dma_wait3A_82[%dma_wait3A_83] : memref<16384xi32, #tpu.memory_space<hbm>> -> memref<1024xi32, #tpu.memory_space<hbm>>
        %dma_wait3A_85 = arith.constant 0 : i32
        %dma_wait3A_86 = tpu.memref_slice %arg3[%dma_wait3A_79, %dma_wait3A_85] : memref<10x16384xi32, #tpu.memory_space<hbm>> -> memref<1x16384xi32, #tpu.memory_space<hbm>>
        %dma_wait3A_87 = tpu.memref_squeeze %dma_wait3A_86 : memref<1x16384xi32, #tpu.memory_space<hbm>> -> memref<16384xi32, #tpu.memory_space<hbm>>
        %dma_wait3A_88 = arith.constant 0 : i32
        %dma_wait3A_89 = tpu.memref_slice %dma_wait3A_87[%dma_wait3A_88] : memref<16384xi32, #tpu.memory_space<hbm>> -> memref<1024xi32, #tpu.memory_space<hbm>>
        tpu.wait_dma2 semaphore(%arg13 : memref<!tpu.dma_semaphore, #tpu.memory_space<semaphore_mem>>) src(%dma_wait3A_89 : memref<1024xi32, #tpu.memory_space<hbm>>) dst(%arg7 : memref<1024xi32, #tpu.memory_space<vmem>>)
        %dma_start3A_90 = arith.constant 0 : i32
        %dma_start3A_91 = tpu.memref_slice %arg5[%dma_start3A_90] : memref<1000000xf32, #tpu.memory_space<vmem_shared>> -> memref<1000000xf32, #tpu.memory_space<vmem_shared>>
        tpu.enqueue_indirect_dma source(%dma_start3A_91 : memref<1000000xf32, #tpu.memory_space<vmem_shared>>) target(%arg9 : memref<1024xf32, #tpu.memory_space<vmem>>) offsets(%arg7 : memref<1024xi32, #tpu.memory_space<vmem>>) semaphore(%arg15 : memref<!tpu.dma_semaphore, #tpu.memory_space<semaphore_mem>>)
        %dma_start3A_92 = arith.constant 1 : i32
        %dma_start3A_93 = arith.constant 0 : i32
        %dma_start3A_94 = tpu.memref_slice %arg3[%dma_start3A_92, %dma_start3A_93] : memref<10x16384xi32, #tpu.memory_space<hbm>> -> memref<1x16384xi32, #tpu.memory_space<hbm>>
        %dma_start3A_95 = tpu.memref_squeeze %dma_start3A_94 : memref<1x16384xi32, #tpu.memory_space<hbm>> -> memref<16384xi32, #tpu.memory_space<hbm>>
        %dma_start3A_96 = tpu.memref_slice %dma_start3A_95[%mul3A_2] : memref<16384xi32, #tpu.memory_space<hbm>> -> memref<1024xi32, #tpu.memory_space<hbm>>
        %dma_start3A_97 = arith.constant 0 : i32
        %dma_start3A_98 = tpu.memref_slice %arg3[%dma_start3A_92, %dma_start3A_97] : memref<10x16384xi32, #tpu.memory_space<hbm>> -> memref<1x16384xi32, #tpu.memory_space<hbm>>
        %dma_start3A_99 = tpu.memref_squeeze %dma_start3A_98 : memref<1x16384xi32, #tpu.memory_space<hbm>> -> memref<16384xi32, #tpu.memory_space<hbm>>
        %dma_start3A_100 = tpu.memref_slice %dma_start3A_99[%mul3A_2] : memref<16384xi32, #tpu.memory_space<hbm>> -> memref<1024xi32, #tpu.memory_space<hbm>>
        tpu.enqueue_dma source(%dma_start3A_100 : memref<1024xi32, #tpu.memory_space<hbm>>) target(%arg8 : memref<1024xi32, #tpu.memory_space<vmem>>) target_semaphore(%arg14 : memref<!tpu.dma_semaphore, #tpu.memory_space<semaphore_mem>>)
        %ge3A_101 = arith.constant 1 : i32
        %ge3A_102 = arith.cmpi sge, %scan3A_50, %ge3A_101 : i32
        %convert_element_type3A_103 = arith.extui %ge3A_102 : i1 to i32
        %cond3A_104 = arith.constant 0 : i32
        %cond3A_105 = arith.cmpi ne, %convert_element_type3A_103, %cond3A_104 : i32
        scf.if %cond3A_105 {
          %dma_wait3A_603 = arith.constant 0 : i32
          %dma_wait3A_604 = arith.constant 0 : i32
          %dma_wait3A_605 = tpu.memref_slice %arg4[%dma_wait3A_603, %dma_wait3A_604] : memref<640x16384xf32, #tpu.memory_space<hbm>> -> memref<1x16384xf32, #tpu.memory_space<hbm>>
          %dma_wait3A_606 = tpu.memref_squeeze %dma_wait3A_605 : memref<1x16384xf32, #tpu.memory_space<hbm>> -> memref<16384xf32, #tpu.memory_space<hbm>>
          %dma_wait3A_607 = arith.constant 0 : i32
          %dma_wait3A_608 = tpu.memref_slice %dma_wait3A_606[%dma_wait3A_607] : memref<16384xf32, #tpu.memory_space<hbm>> -> memref<1024xf32, #tpu.memory_space<hbm>>
          %dma_wait3A_609 = arith.constant 0 : i32
          %dma_wait3A_610 = tpu.memref_slice %arg4[%dma_wait3A_603, %dma_wait3A_609] : memref<640x16384xf32, #tpu.memory_space<hbm>> -> memref<1x16384xf32, #tpu.memory_space<hbm>>
          %dma_wait3A_611 = tpu.memref_squeeze %dma_wait3A_610 : memref<1x16384xf32, #tpu.memory_space<hbm>> -> memref<16384xf32, #tpu.memory_space<hbm>>
          %dma_wait3A_612 = arith.constant 0 : i32
          %dma_wait3A_613 = tpu.memref_slice %dma_wait3A_611[%dma_wait3A_612] : memref<16384xf32, #tpu.memory_space<hbm>> -> memref<1024xf32, #tpu.memory_space<hbm>>
          tpu.wait_dma2 semaphore(%arg17 : memref<!tpu.dma_semaphore, #tpu.memory_space<semaphore_mem>>) src(%dma_wait3A_613 : memref<1024xf32, #tpu.memory_space<hbm>>) dst(%arg10 : memref<1024xf32, #tpu.memory_space<vmem>>)
        } else {
        }
        %dma_wait3A_106 = arith.constant 0 : i32
        %dma_wait3A_107 = arith.constant 0 : i32
        %dma_wait3A_108 = tpu.memref_slice %arg3[%dma_wait3A_106, %dma_wait3A_107] : memref<10x16384xi32, #tpu.memory_space<hbm>> -> memref<1x16384xi32, #tpu.memory_space<hbm>>
        %dma_wait3A_109 = tpu.memref_squeeze %dma_wait3A_108 : memref<1x16384xi32, #tpu.memory_space<hbm>> -> memref<16384xi32, #tpu.memory_space<hbm>>
        %dma_wait3A_110 = arith.constant 0 : i32
        %dma_wait3A_111 = tpu.memref_slice %dma_wait3A_109[%dma_wait3A_110] : memref<16384xi32, #tpu.memory_space<hbm>> -> memref<1024xi32, #tpu.memory_space<hbm>>
        %dma_wait3A_112 = arith.constant 0 : i32
        %dma_wait3A_113 = tpu.memref_slice %arg3[%dma_wait3A_106, %dma_wait3A_112] : memref<10x16384xi32, #tpu.memory_space<hbm>> -> memref<1x16384xi32, #tpu.memory_space<hbm>>
        %dma_wait3A_114 = tpu.memref_squeeze %dma_wait3A_113 : memref<1x16384xi32, #tpu.memory_space<hbm>> -> memref<16384xi32, #tpu.memory_space<hbm>>
        %dma_wait3A_115 = arith.constant 0 : i32
        %dma_wait3A_116 = tpu.memref_slice %dma_wait3A_114[%dma_wait3A_115] : memref<16384xi32, #tpu.memory_space<hbm>> -> memref<1024xi32, #tpu.memory_space<hbm>>
        tpu.wait_dma2 semaphore(%arg14 : memref<!tpu.dma_semaphore, #tpu.memory_space<semaphore_mem>>) src(%dma_wait3A_116 : memref<1024xi32, #tpu.memory_space<hbm>>) dst(%arg8 : memref<1024xi32, #tpu.memory_space<vmem>>)
        %dma_start3A_117 = arith.constant 0 : i32
        %dma_start3A_118 = tpu.memref_slice %arg5[%dma_start3A_117] : memref<1000000xf32, #tpu.memory_space<vmem_shared>> -> memref<1000000xf32, #tpu.memory_space<vmem_shared>>
        tpu.enqueue_indirect_dma source(%dma_start3A_118 : memref<1000000xf32, #tpu.memory_space<vmem_shared>>) target(%arg10 : memref<1024xf32, #tpu.memory_space<vmem>>) offsets(%arg8 : memref<1024xi32, #tpu.memory_space<vmem>>) semaphore(%arg15 : memref<!tpu.dma_semaphore, #tpu.memory_space<semaphore_mem>>)
        %dma_wait3A_119 = arith.constant 0 : i32
        %dma_wait3A_120 = arith.constant 0 : i32
        %dma_wait3A_121 = tpu.memref_slice %arg4[%dma_wait3A_119, %dma_wait3A_120] : memref<640x16384xf32, #tpu.memory_space<hbm>> -> memref<1x16384xf32, #tpu.memory_space<hbm>>
        %dma_wait3A_122 = tpu.memref_squeeze %dma_wait3A_121 : memref<1x16384xf32, #tpu.memory_space<hbm>> -> memref<16384xf32, #tpu.memory_space<hbm>>
        %dma_wait3A_123 = arith.constant 0 : i32
        %dma_wait3A_124 = tpu.memref_slice %dma_wait3A_122[%dma_wait3A_123] : memref<16384xf32, #tpu.memory_space<hbm>> -> memref<1024xf32, #tpu.memory_space<hbm>>
        %dma_wait3A_125 = arith.constant 0 : i32
        %dma_wait3A_126 = tpu.memref_slice %arg4[%dma_wait3A_119, %dma_wait3A_125] : memref<640x16384xf32, #tpu.memory_space<hbm>> -> memref<1x16384xf32, #tpu.memory_space<hbm>>
        %dma_wait3A_127 = tpu.memref_squeeze %dma_wait3A_126 : memref<1x16384xf32, #tpu.memory_space<hbm>> -> memref<16384xf32, #tpu.memory_space<hbm>>
        %dma_wait3A_128 = arith.constant 0 : i32
        %dma_wait3A_129 = tpu.memref_slice %dma_wait3A_127[%dma_wait3A_128] : memref<16384xf32, #tpu.memory_space<hbm>> -> memref<1024xf32, #tpu.memory_space<hbm>>
        tpu.wait_dma2 semaphore(%arg15 : memref<!tpu.dma_semaphore, #tpu.memory_space<semaphore_mem>>) src(%dma_wait3A_129 : memref<1024xf32, #tpu.memory_space<hbm>>) dst(%arg9 : memref<1024xf32, #tpu.memory_space<vmem>>)
        %add3A_130 = arith.constant 0 : i32
        %add3A_131 = arith.addi %add3A_130, %add3A : i32
        %dma_start3A_132 = arith.constant 0 : i32
        %dma_start3A_133 = tpu.memref_slice %arg4[%add3A_131, %dma_start3A_132] : memref<640x16384xf32, #tpu.memory_space<hbm>> -> memref<1x16384xf32, #tpu.memory_space<hbm>>
        %dma_start3A_134 = tpu.memref_squeeze %dma_start3A_133 : memref<1x16384xf32, #tpu.memory_space<hbm>> -> memref<16384xf32, #tpu.memory_space<hbm>>
        %dma_start3A_135 = tpu.memref_slice %dma_start3A_134[%mul3A_2] : memref<16384xf32, #tpu.memory_space<hbm>> -> memref<1024xf32, #tpu.memory_space<hbm>>
        %dma_start3A_136 = arith.constant 0 : i32
        %dma_start3A_137 = tpu.memref_slice %arg4[%add3A_131, %dma_start3A_136] : memref<640x16384xf32, #tpu.memory_space<hbm>> -> memref<1x16384xf32, #tpu.memory_space<hbm>>
        %dma_start3A_138 = tpu.memref_squeeze %dma_start3A_137 : memref<1x16384xf32, #tpu.memory_space<hbm>> -> memref<16384xf32, #tpu.memory_space<hbm>>
        %dma_start3A_139 = tpu.memref_slice %dma_start3A_138[%mul3A_2] : memref<16384xf32, #tpu.memory_space<hbm>> -> memref<1024xf32, #tpu.memory_space<hbm>>
        tpu.enqueue_dma source(%arg9 : memref<1024xf32, #tpu.memory_space<vmem>>) target(%dma_start3A_139 : memref<1024xf32, #tpu.memory_space<hbm>>) target_semaphore(%arg16 : memref<!tpu.dma_semaphore, #tpu.memory_space<semaphore_mem>>)
        %dma_start3A_140 = arith.constant 2 : i32
        %dma_start3A_141 = arith.constant 0 : i32
        %dma_start3A_142 = tpu.memref_slice %arg3[%dma_start3A_140, %dma_start3A_141] : memref<10x16384xi32, #tpu.memory_space<hbm>> -> memref<1x16384xi32, #tpu.memory_space<hbm>>
        %dma_start3A_143 = tpu.memref_squeeze %dma_start3A_142 : memref<1x16384xi32, #tpu.memory_space<hbm>> -> memref<16384xi32, #tpu.memory_space<hbm>>
        %dma_start3A_144 = tpu.memref_slice %dma_start3A_143[%mul3A_2] : memref<16384xi32, #tpu.memory_space<hbm>> -> memref<1024xi32, #tpu.memory_space<hbm>>
        %dma_start3A_145 = arith.constant 0 : i32
        %dma_start3A_146 = tpu.memref_slice %arg3[%dma_start3A_140, %dma_start3A_145] : memref<10x16384xi32, #tpu.memory_space<hbm>> -> memref<1x16384xi32, #tpu.memory_space<hbm>>
        %dma_start3A_147 = tpu.memref_squeeze %dma_start3A_146 : memref<1x16384xi32, #tpu.memory_space<hbm>> -> memref<16384xi32, #tpu.memory_space<hbm>>
        %dma_start3A_148 = tpu.memref_slice %dma_start3A_147[%mul3A_2] : memref<16384xi32, #tpu.memory_space<hbm>> -> memref<1024xi32, #tpu.memory_space<hbm>>
        tpu.enqueue_dma source(%dma_start3A_148 : memref<1024xi32, #tpu.memory_space<hbm>>) target(%arg7 : memref<1024xi32, #tpu.memory_space<vmem>>) target_semaphore(%arg13 : memref<!tpu.dma_semaphore, #tpu.memory_space<semaphore_mem>>)
        %dma_wait3A_149 = arith.constant 0 : i32
        %dma_wait3A_150 = arith.constant 0 : i32
        %dma_wait3A_151 = tpu.memref_slice %arg4[%dma_wait3A_149, %dma_wait3A_150] : memref<640x16384xf32, #tpu.memory_space<hbm>> -> memref<1x16384xf32, #tpu.memory_space<hbm>>
        %dma_wait3A_152 = tpu.memref_squeeze %dma_wait3A_151 : memref<1x16384xf32, #tpu.memory_space<hbm>> -> memref<16384xf32, #tpu.memory_space<hbm>>
        %dma_wait3A_153 = arith.constant 0 : i32
        %dma_wait3A_154 = tpu.memref_slice %dma_wait3A_152[%dma_wait3A_153] : memref<16384xf32, #tpu.memory_space<hbm>> -> memref<1024xf32, #tpu.memory_space<hbm>>
        %dma_wait3A_155 = arith.constant 0 : i32
        %dma_wait3A_156 = tpu.memref_slice %arg4[%dma_wait3A_149, %dma_wait3A_155] : memref<640x16384xf32, #tpu.memory_space<hbm>> -> memref<1x16384xf32, #tpu.memory_space<hbm>>
        %dma_wait3A_157 = tpu.memref_squeeze %dma_wait3A_156 : memref<1x16384xf32, #tpu.memory_space<hbm>> -> memref<16384xf32, #tpu.memory_space<hbm>>
        %dma_wait3A_158 = arith.constant 0 : i32
        %dma_wait3A_159 = tpu.memref_slice %dma_wait3A_157[%dma_wait3A_158] : memref<16384xf32, #tpu.memory_space<hbm>> -> memref<1024xf32, #tpu.memory_space<hbm>>
        tpu.wait_dma2 semaphore(%arg16 : memref<!tpu.dma_semaphore, #tpu.memory_space<semaphore_mem>>) src(%dma_wait3A_159 : memref<1024xf32, #tpu.memory_space<hbm>>) dst(%arg9 : memref<1024xf32, #tpu.memory_space<vmem>>)
        %dma_wait3A_160 = arith.constant 0 : i32
        %dma_wait3A_161 = arith.constant 0 : i32
        %dma_wait3A_162 = tpu.memref_slice %arg3[%dma_wait3A_160, %dma_wait3A_161] : memref<10x16384xi32, #tpu.memory_space<hbm>> -> memref<1x16384xi32, #tpu.memory_space<hbm>>
        %dma_wait3A_163 = tpu.memref_squeeze %dma_wait3A_162 : memref<1x16384xi32, #tpu.memory_space<hbm>> -> memref<16384xi32, #tpu.memory_space<hbm>>
        %dma_wait3A_164 = arith.constant 0 : i32
        %dma_wait3A_165 = tpu.memref_slice %dma_wait3A_163[%dma_wait3A_164] : memref<16384xi32, #tpu.memory_space<hbm>> -> memref<1024xi32, #tpu.memory_space<hbm>>
        %dma_wait3A_166 = arith.constant 0 : i32
        %dma_wait3A_167 = tpu.memref_slice %arg3[%dma_wait3A_160, %dma_wait3A_166] : memref<10x16384xi32, #tpu.memory_space<hbm>> -> memref<1x16384xi32, #tpu.memory_space<hbm>>
        %dma_wait3A_168 = tpu.memref_squeeze %dma_wait3A_167 : memref<1x16384xi32, #tpu.memory_space<hbm>> -> memref<16384xi32, #tpu.memory_space<hbm>>
        %dma_wait3A_169 = arith.constant 0 : i32
        %dma_wait3A_170 = tpu.memref_slice %dma_wait3A_168[%dma_wait3A_169] : memref<16384xi32, #tpu.memory_space<hbm>> -> memref<1024xi32, #tpu.memory_space<hbm>>
        tpu.wait_dma2 semaphore(%arg13 : memref<!tpu.dma_semaphore, #tpu.memory_space<semaphore_mem>>) src(%dma_wait3A_170 : memref<1024xi32, #tpu.memory_space<hbm>>) dst(%arg7 : memref<1024xi32, #tpu.memory_space<vmem>>)
        %dma_start3A_171 = arith.constant 0 : i32
        %dma_start3A_172 = tpu.memref_slice %arg5[%dma_start3A_171] : memref<1000000xf32, #tpu.memory_space<vmem_shared>> -> memref<1000000xf32, #tpu.memory_space<vmem_shared>>
        tpu.enqueue_indirect_dma source(%dma_start3A_172 : memref<1000000xf32, #tpu.memory_space<vmem_shared>>) target(%arg9 : memref<1024xf32, #tpu.memory_space<vmem>>) offsets(%arg7 : memref<1024xi32, #tpu.memory_space<vmem>>) semaphore(%arg15 : memref<!tpu.dma_semaphore, #tpu.memory_space<semaphore_mem>>)
        %dma_wait3A_173 = arith.constant 0 : i32
        %dma_wait3A_174 = arith.constant 0 : i32
        %dma_wait3A_175 = tpu.memref_slice %arg4[%dma_wait3A_173, %dma_wait3A_174] : memref<640x16384xf32, #tpu.memory_space<hbm>> -> memref<1x16384xf32, #tpu.memory_space<hbm>>
        %dma_wait3A_176 = tpu.memref_squeeze %dma_wait3A_175 : memref<1x16384xf32, #tpu.memory_space<hbm>> -> memref<16384xf32, #tpu.memory_space<hbm>>
        %dma_wait3A_177 = arith.constant 0 : i32
        %dma_wait3A_178 = tpu.memref_slice %dma_wait3A_176[%dma_wait3A_177] : memref<16384xf32, #tpu.memory_space<hbm>> -> memref<1024xf32, #tpu.memory_space<hbm>>
        %dma_wait3A_179 = arith.constant 0 : i32
        %dma_wait3A_180 = tpu.memref_slice %arg4[%dma_wait3A_173, %dma_wait3A_179] : memref<640x16384xf32, #tpu.memory_space<hbm>> -> memref<1x16384xf32, #tpu.memory_space<hbm>>
        %dma_wait3A_181 = tpu.memref_squeeze %dma_wait3A_180 : memref<1x16384xf32, #tpu.memory_space<hbm>> -> memref<16384xf32, #tpu.memory_space<hbm>>
        %dma_wait3A_182 = arith.constant 0 : i32
        %dma_wait3A_183 = tpu.memref_slice %dma_wait3A_181[%dma_wait3A_182] : memref<16384xf32, #tpu.memory_space<hbm>> -> memref<1024xf32, #tpu.memory_space<hbm>>
        tpu.wait_dma2 semaphore(%arg15 : memref<!tpu.dma_semaphore, #tpu.memory_space<semaphore_mem>>) src(%dma_wait3A_183 : memref<1024xf32, #tpu.memory_space<hbm>>) dst(%arg10 : memref<1024xf32, #tpu.memory_space<vmem>>)
        %add3A_184 = arith.constant 64 : i32
        %add3A_185 = arith.addi %add3A_184, %add3A : i32
        %dma_start3A_186 = arith.constant 0 : i32
        %dma_start3A_187 = tpu.memref_slice %arg4[%add3A_185, %dma_start3A_186] : memref<640x16384xf32, #tpu.memory_space<hbm>> -> memref<1x16384xf32, #tpu.memory_space<hbm>>
        %dma_start3A_188 = tpu.memref_squeeze %dma_start3A_187 : memref<1x16384xf32, #tpu.memory_space<hbm>> -> memref<16384xf32, #tpu.memory_space<hbm>>
        %dma_start3A_189 = tpu.memref_slice %dma_start3A_188[%mul3A_2] : memref<16384xf32, #tpu.memory_space<hbm>> -> memref<1024xf32, #tpu.memory_space<hbm>>
        %dma_start3A_190 = arith.constant 0 : i32
        %dma_start3A_191 = tpu.memref_slice %arg4[%add3A_185, %dma_start3A_190] : memref<640x16384xf32, #tpu.memory_space<hbm>> -> memref<1x16384xf32, #tpu.memory_space<hbm>>
        %dma_start3A_192 = tpu.memref_squeeze %dma_start3A_191 : memref<1x16384xf32, #tpu.memory_space<hbm>> -> memref<16384xf32, #tpu.memory_space<hbm>>
        %dma_start3A_193 = tpu.memref_slice %dma_start3A_192[%mul3A_2] : memref<16384xf32, #tpu.memory_space<hbm>> -> memref<1024xf32, #tpu.memory_space<hbm>>
        tpu.enqueue_dma source(%arg10 : memref<1024xf32, #tpu.memory_space<vmem>>) target(%dma_start3A_193 : memref<1024xf32, #tpu.memory_space<hbm>>) target_semaphore(%arg17 : memref<!tpu.dma_semaphore, #tpu.memory_space<semaphore_mem>>)
        %dma_start3A_194 = arith.constant 3 : i32
        %dma_start3A_195 = arith.constant 0 : i32
        %dma_start3A_196 = tpu.memref_slice %arg3[%dma_start3A_194, %dma_start3A_195] : memref<10x16384xi32, #tpu.memory_space<hbm>> -> memref<1x16384xi32, #tpu.memory_space<hbm>>
        %dma_start3A_197 = tpu.memref_squeeze %dma_start3A_196 : memref<1x16384xi32, #tpu.memory_space<hbm>> -> memref<16384xi32, #tpu.memory_space<hbm>>
        %dma_start3A_198 = tpu.memref_slice %dma_start3A_197[%mul3A_2] : memref<16384xi32, #tpu.memory_space<hbm>> -> memref<1024xi32, #tpu.memory_space<hbm>>
        %dma_start3A_199 = arith.constant 0 : i32
        %dma_start3A_200 = tpu.memref_slice %arg3[%dma_start3A_194, %dma_start3A_199] : memref<10x16384xi32, #tpu.memory_space<hbm>> -> memref<1x16384xi32, #tpu.memory_space<hbm>>
        %dma_start3A_201 = tpu.memref_squeeze %dma_start3A_200 : memref<1x16384xi32, #tpu.memory_space<hbm>> -> memref<16384xi32, #tpu.memory_space<hbm>>
        %dma_start3A_202 = tpu.memref_slice %dma_start3A_201[%mul3A_2] : memref<16384xi32, #tpu.memory_space<hbm>> -> memref<1024xi32, #tpu.memory_space<hbm>>
        tpu.enqueue_dma source(%dma_start3A_202 : memref<1024xi32, #tpu.memory_space<hbm>>) target(%arg8 : memref<1024xi32, #tpu.memory_space<vmem>>) target_semaphore(%arg14 : memref<!tpu.dma_semaphore, #tpu.memory_space<semaphore_mem>>)
        %dma_wait3A_203 = arith.constant 0 : i32
        %dma_wait3A_204 = arith.constant 0 : i32
        %dma_wait3A_205 = tpu.memref_slice %arg4[%dma_wait3A_203, %dma_wait3A_204] : memref<640x16384xf32, #tpu.memory_space<hbm>> -> memref<1x16384xf32, #tpu.memory_space<hbm>>
        %dma_wait3A_206 = tpu.memref_squeeze %dma_wait3A_205 : memref<1x16384xf32, #tpu.memory_space<hbm>> -> memref<16384xf32, #tpu.memory_space<hbm>>
        %dma_wait3A_207 = arith.constant 0 : i32
        %dma_wait3A_208 = tpu.memref_slice %dma_wait3A_206[%dma_wait3A_207] : memref<16384xf32, #tpu.memory_space<hbm>> -> memref<1024xf32, #tpu.memory_space<hbm>>
        %dma_wait3A_209 = arith.constant 0 : i32
        %dma_wait3A_210 = tpu.memref_slice %arg4[%dma_wait3A_203, %dma_wait3A_209] : memref<640x16384xf32, #tpu.memory_space<hbm>> -> memref<1x16384xf32, #tpu.memory_space<hbm>>
        %dma_wait3A_211 = tpu.memref_squeeze %dma_wait3A_210 : memref<1x16384xf32, #tpu.memory_space<hbm>> -> memref<16384xf32, #tpu.memory_space<hbm>>
        %dma_wait3A_212 = arith.constant 0 : i32
        %dma_wait3A_213 = tpu.memref_slice %dma_wait3A_211[%dma_wait3A_212] : memref<16384xf32, #tpu.memory_space<hbm>> -> memref<1024xf32, #tpu.memory_space<hbm>>
        tpu.wait_dma2 semaphore(%arg17 : memref<!tpu.dma_semaphore, #tpu.memory_space<semaphore_mem>>) src(%dma_wait3A_213 : memref<1024xf32, #tpu.memory_space<hbm>>) dst(%arg10 : memref<1024xf32, #tpu.memory_space<vmem>>)
        %dma_wait3A_214 = arith.constant 0 : i32
        %dma_wait3A_215 = arith.constant 0 : i32
        %dma_wait3A_216 = tpu.memref_slice %arg3[%dma_wait3A_214, %dma_wait3A_215] : memref<10x16384xi32, #tpu.memory_space<hbm>> -> memref<1x16384xi32, #tpu.memory_space<hbm>>
        %dma_wait3A_217 = tpu.memref_squeeze %dma_wait3A_216 : memref<1x16384xi32, #tpu.memory_space<hbm>> -> memref<16384xi32, #tpu.memory_space<hbm>>
        %dma_wait3A_218 = arith.constant 0 : i32
        %dma_wait3A_219 = tpu.memref_slice %dma_wait3A_217[%dma_wait3A_218] : memref<16384xi32, #tpu.memory_space<hbm>> -> memref<1024xi32, #tpu.memory_space<hbm>>
        %dma_wait3A_220 = arith.constant 0 : i32
        %dma_wait3A_221 = tpu.memref_slice %arg3[%dma_wait3A_214, %dma_wait3A_220] : memref<10x16384xi32, #tpu.memory_space<hbm>> -> memref<1x16384xi32, #tpu.memory_space<hbm>>
        %dma_wait3A_222 = tpu.memref_squeeze %dma_wait3A_221 : memref<1x16384xi32, #tpu.memory_space<hbm>> -> memref<16384xi32, #tpu.memory_space<hbm>>
        %dma_wait3A_223 = arith.constant 0 : i32
        %dma_wait3A_224 = tpu.memref_slice %dma_wait3A_222[%dma_wait3A_223] : memref<16384xi32, #tpu.memory_space<hbm>> -> memref<1024xi32, #tpu.memory_space<hbm>>
        tpu.wait_dma2 semaphore(%arg14 : memref<!tpu.dma_semaphore, #tpu.memory_space<semaphore_mem>>) src(%dma_wait3A_224 : memref<1024xi32, #tpu.memory_space<hbm>>) dst(%arg8 : memref<1024xi32, #tpu.memory_space<vmem>>)
        %dma_start3A_225 = arith.constant 0 : i32
        %dma_start3A_226 = tpu.memref_slice %arg5[%dma_start3A_225] : memref<1000000xf32, #tpu.memory_space<vmem_shared>> -> memref<1000000xf32, #tpu.memory_space<vmem_shared>>
        tpu.enqueue_indirect_dma source(%dma_start3A_226 : memref<1000000xf32, #tpu.memory_space<vmem_shared>>) target(%arg10 : memref<1024xf32, #tpu.memory_space<vmem>>) offsets(%arg8 : memref<1024xi32, #tpu.memory_space<vmem>>) semaphore(%arg15 : memref<!tpu.dma_semaphore, #tpu.memory_space<semaphore_mem>>)
        %dma_wait3A_227 = arith.constant 0 : i32
        %dma_wait3A_228 = arith.constant 0 : i32
        %dma_wait3A_229 = tpu.memref_slice %arg4[%dma_wait3A_227, %dma_wait3A_228] : memref<640x16384xf32, #tpu.memory_space<hbm>> -> memref<1x16384xf32, #tpu.memory_space<hbm>>
        %dma_wait3A_230 = tpu.memref_squeeze %dma_wait3A_229 : memref<1x16384xf32, #tpu.memory_space<hbm>> -> memref<16384xf32, #tpu.memory_space<hbm>>
        %dma_wait3A_231 = arith.constant 0 : i32
        %dma_wait3A_232 = tpu.memref_slice %dma_wait3A_230[%dma_wait3A_231] : memref<16384xf32, #tpu.memory_space<hbm>> -> memref<1024xf32, #tpu.memory_space<hbm>>
        %dma_wait3A_233 = arith.constant 0 : i32
        %dma_wait3A_234 = tpu.memref_slice %arg4[%dma_wait3A_227, %dma_wait3A_233] : memref<640x16384xf32, #tpu.memory_space<hbm>> -> memref<1x16384xf32, #tpu.memory_space<hbm>>
        %dma_wait3A_235 = tpu.memref_squeeze %dma_wait3A_234 : memref<1x16384xf32, #tpu.memory_space<hbm>> -> memref<16384xf32, #tpu.memory_space<hbm>>
        %dma_wait3A_236 = arith.constant 0 : i32
        %dma_wait3A_237 = tpu.memref_slice %dma_wait3A_235[%dma_wait3A_236] : memref<16384xf32, #tpu.memory_space<hbm>> -> memref<1024xf32, #tpu.memory_space<hbm>>
        tpu.wait_dma2 semaphore(%arg15 : memref<!tpu.dma_semaphore, #tpu.memory_space<semaphore_mem>>) src(%dma_wait3A_237 : memref<1024xf32, #tpu.memory_space<hbm>>) dst(%arg9 : memref<1024xf32, #tpu.memory_space<vmem>>)
        %add3A_238 = arith.constant 128 : i32
        %add3A_239 = arith.addi %add3A_238, %add3A : i32
        %dma_start3A_240 = arith.constant 0 : i32
        %dma_start3A_241 = tpu.memref_slice %arg4[%add3A_239, %dma_start3A_240] : memref<640x16384xf32, #tpu.memory_space<hbm>> -> memref<1x16384xf32, #tpu.memory_space<hbm>>
        %dma_start3A_242 = tpu.memref_squeeze %dma_start3A_241 : memref<1x16384xf32, #tpu.memory_space<hbm>> -> memref<16384xf32, #tpu.memory_space<hbm>>
        %dma_start3A_243 = tpu.memref_slice %dma_start3A_242[%mul3A_2] : memref<16384xf32, #tpu.memory_space<hbm>> -> memref<1024xf32, #tpu.memory_space<hbm>>
        %dma_start3A_244 = arith.constant 0 : i32
        %dma_start3A_245 = tpu.memref_slice %arg4[%add3A_239, %dma_start3A_244] : memref<640x16384xf32, #tpu.memory_space<hbm>> -> memref<1x16384xf32, #tpu.memory_space<hbm>>
        %dma_start3A_246 = tpu.memref_squeeze %dma_start3A_245 : memref<1x16384xf32, #tpu.memory_space<hbm>> -> memref<16384xf32, #tpu.memory_space<hbm>>
        %dma_start3A_247 = tpu.memref_slice %dma_start3A_246[%mul3A_2] : memref<16384xf32, #tpu.memory_space<hbm>> -> memref<1024xf32, #tpu.memory_space<hbm>>
        tpu.enqueue_dma source(%arg9 : memref<1024xf32, #tpu.memory_space<vmem>>) target(%dma_start3A_247 : memref<1024xf32, #tpu.memory_space<hbm>>) target_semaphore(%arg16 : memref<!tpu.dma_semaphore, #tpu.memory_space<semaphore_mem>>)
        %dma_start3A_248 = arith.constant 4 : i32
        %dma_start3A_249 = arith.constant 0 : i32
        %dma_start3A_250 = tpu.memref_slice %arg3[%dma_start3A_248, %dma_start3A_249] : memref<10x16384xi32, #tpu.memory_space<hbm>> -> memref<1x16384xi32, #tpu.memory_space<hbm>>
        %dma_start3A_251 = tpu.memref_squeeze %dma_start3A_250 : memref<1x16384xi32, #tpu.memory_space<hbm>> -> memref<16384xi32, #tpu.memory_space<hbm>>
        %dma_start3A_252 = tpu.memref_slice %dma_start3A_251[%mul3A_2] : memref<16384xi32, #tpu.memory_space<hbm>> -> memref<1024xi32, #tpu.memory_space<hbm>>
        %dma_start3A_253 = arith.constant 0 : i32
        %dma_start3A_254 = tpu.memref_slice %arg3[%dma_start3A_248, %dma_start3A_253] : memref<10x16384xi32, #tpu.memory_space<hbm>> -> memref<1x16384xi32, #tpu.memory_space<hbm>>
        %dma_start3A_255 = tpu.memref_squeeze %dma_start3A_254 : memref<1x16384xi32, #tpu.memory_space<hbm>> -> memref<16384xi32, #tpu.memory_space<hbm>>
        %dma_start3A_256 = tpu.memref_slice %dma_start3A_255[%mul3A_2] : memref<16384xi32, #tpu.memory_space<hbm>> -> memref<1024xi32, #tpu.memory_space<hbm>>
        tpu.enqueue_dma source(%dma_start3A_256 : memref<1024xi32, #tpu.memory_space<hbm>>) target(%arg7 : memref<1024xi32, #tpu.memory_space<vmem>>) target_semaphore(%arg13 : memref<!tpu.dma_semaphore, #tpu.memory_space<semaphore_mem>>)
        %dma_wait3A_257 = arith.constant 0 : i32
        %dma_wait3A_258 = arith.constant 0 : i32
        %dma_wait3A_259 = tpu.memref_slice %arg4[%dma_wait3A_257, %dma_wait3A_258] : memref<640x16384xf32, #tpu.memory_space<hbm>> -> memref<1x16384xf32, #tpu.memory_space<hbm>>
        %dma_wait3A_260 = tpu.memref_squeeze %dma_wait3A_259 : memref<1x16384xf32, #tpu.memory_space<hbm>> -> memref<16384xf32, #tpu.memory_space<hbm>>
        %dma_wait3A_261 = arith.constant 0 : i32
        %dma_wait3A_262 = tpu.memref_slice %dma_wait3A_260[%dma_wait3A_261] : memref<16384xf32, #tpu.memory_space<hbm>> -> memref<1024xf32, #tpu.memory_space<hbm>>
        %dma_wait3A_263 = arith.constant 0 : i32
        %dma_wait3A_264 = tpu.memref_slice %arg4[%dma_wait3A_257, %dma_wait3A_263] : memref<640x16384xf32, #tpu.memory_space<hbm>> -> memref<1x16384xf32, #tpu.memory_space<hbm>>
        %dma_wait3A_265 = tpu.memref_squeeze %dma_wait3A_264 : memref<1x16384xf32, #tpu.memory_space<hbm>> -> memref<16384xf32, #tpu.memory_space<hbm>>
        %dma_wait3A_266 = arith.constant 0 : i32
        %dma_wait3A_267 = tpu.memref_slice %dma_wait3A_265[%dma_wait3A_266] : memref<16384xf32, #tpu.memory_space<hbm>> -> memref<1024xf32, #tpu.memory_space<hbm>>
        tpu.wait_dma2 semaphore(%arg16 : memref<!tpu.dma_semaphore, #tpu.memory_space<semaphore_mem>>) src(%dma_wait3A_267 : memref<1024xf32, #tpu.memory_space<hbm>>) dst(%arg9 : memref<1024xf32, #tpu.memory_space<vmem>>)
        %dma_wait3A_268 = arith.constant 0 : i32
        %dma_wait3A_269 = arith.constant 0 : i32
        %dma_wait3A_270 = tpu.memref_slice %arg3[%dma_wait3A_268, %dma_wait3A_269] : memref<10x16384xi32, #tpu.memory_space<hbm>> -> memref<1x16384xi32, #tpu.memory_space<hbm>>
        %dma_wait3A_271 = tpu.memref_squeeze %dma_wait3A_270 : memref<1x16384xi32, #tpu.memory_space<hbm>> -> memref<16384xi32, #tpu.memory_space<hbm>>
        %dma_wait3A_272 = arith.constant 0 : i32
        %dma_wait3A_273 = tpu.memref_slice %dma_wait3A_271[%dma_wait3A_272] : memref<16384xi32, #tpu.memory_space<hbm>> -> memref<1024xi32, #tpu.memory_space<hbm>>
        %dma_wait3A_274 = arith.constant 0 : i32
        %dma_wait3A_275 = tpu.memref_slice %arg3[%dma_wait3A_268, %dma_wait3A_274] : memref<10x16384xi32, #tpu.memory_space<hbm>> -> memref<1x16384xi32, #tpu.memory_space<hbm>>
        %dma_wait3A_276 = tpu.memref_squeeze %dma_wait3A_275 : memref<1x16384xi32, #tpu.memory_space<hbm>> -> memref<16384xi32, #tpu.memory_space<hbm>>
        %dma_wait3A_277 = arith.constant 0 : i32
        %dma_wait3A_278 = tpu.memref_slice %dma_wait3A_276[%dma_wait3A_277] : memref<16384xi32, #tpu.memory_space<hbm>> -> memref<1024xi32, #tpu.memory_space<hbm>>
        tpu.wait_dma2 semaphore(%arg13 : memref<!tpu.dma_semaphore, #tpu.memory_space<semaphore_mem>>) src(%dma_wait3A_278 : memref<1024xi32, #tpu.memory_space<hbm>>) dst(%arg7 : memref<1024xi32, #tpu.memory_space<vmem>>)
        %dma_start3A_279 = arith.constant 0 : i32
        %dma_start3A_280 = tpu.memref_slice %arg5[%dma_start3A_279] : memref<1000000xf32, #tpu.memory_space<vmem_shared>> -> memref<1000000xf32, #tpu.memory_space<vmem_shared>>
        tpu.enqueue_indirect_dma source(%dma_start3A_280 : memref<1000000xf32, #tpu.memory_space<vmem_shared>>) target(%arg9 : memref<1024xf32, #tpu.memory_space<vmem>>) offsets(%arg7 : memref<1024xi32, #tpu.memory_space<vmem>>) semaphore(%arg15 : memref<!tpu.dma_semaphore, #tpu.memory_space<semaphore_mem>>)
        %dma_wait3A_281 = arith.constant 0 : i32
        %dma_wait3A_282 = arith.constant 0 : i32
        %dma_wait3A_283 = tpu.memref_slice %arg4[%dma_wait3A_281, %dma_wait3A_282] : memref<640x16384xf32, #tpu.memory_space<hbm>> -> memref<1x16384xf32, #tpu.memory_space<hbm>>
        %dma_wait3A_284 = tpu.memref_squeeze %dma_wait3A_283 : memref<1x16384xf32, #tpu.memory_space<hbm>> -> memref<16384xf32, #tpu.memory_space<hbm>>
        %dma_wait3A_285 = arith.constant 0 : i32
        %dma_wait3A_286 = tpu.memref_slice %dma_wait3A_284[%dma_wait3A_285] : memref<16384xf32, #tpu.memory_space<hbm>> -> memref<1024xf32, #tpu.memory_space<hbm>>
        %dma_wait3A_287 = arith.constant 0 : i32
        %dma_wait3A_288 = tpu.memref_slice %arg4[%dma_wait3A_281, %dma_wait3A_287] : memref<640x16384xf32, #tpu.memory_space<hbm>> -> memref<1x16384xf32, #tpu.memory_space<hbm>>
        %dma_wait3A_289 = tpu.memref_squeeze %dma_wait3A_288 : memref<1x16384xf32, #tpu.memory_space<hbm>> -> memref<16384xf32, #tpu.memory_space<hbm>>
        %dma_wait3A_290 = arith.constant 0 : i32
        %dma_wait3A_291 = tpu.memref_slice %dma_wait3A_289[%dma_wait3A_290] : memref<16384xf32, #tpu.memory_space<hbm>> -> memref<1024xf32, #tpu.memory_space<hbm>>
        tpu.wait_dma2 semaphore(%arg15 : memref<!tpu.dma_semaphore, #tpu.memory_space<semaphore_mem>>) src(%dma_wait3A_291 : memref<1024xf32, #tpu.memory_space<hbm>>) dst(%arg10 : memref<1024xf32, #tpu.memory_space<vmem>>)
        %add3A_292 = arith.constant 192 : i32
        %add3A_293 = arith.addi %add3A_292, %add3A : i32
        %dma_start3A_294 = arith.constant 0 : i32
        %dma_start3A_295 = tpu.memref_slice %arg4[%add3A_293, %dma_start3A_294] : memref<640x16384xf32, #tpu.memory_space<hbm>> -> memref<1x16384xf32, #tpu.memory_space<hbm>>
        %dma_start3A_296 = tpu.memref_squeeze %dma_start3A_295 : memref<1x16384xf32, #tpu.memory_space<hbm>> -> memref<16384xf32, #tpu.memory_space<hbm>>
        %dma_start3A_297 = tpu.memref_slice %dma_start3A_296[%mul3A_2] : memref<16384xf32, #tpu.memory_space<hbm>> -> memref<1024xf32, #tpu.memory_space<hbm>>
        %dma_start3A_298 = arith.constant 0 : i32
        %dma_start3A_299 = tpu.memref_slice %arg4[%add3A_293, %dma_start3A_298] : memref<640x16384xf32, #tpu.memory_space<hbm>> -> memref<1x16384xf32, #tpu.memory_space<hbm>>
        %dma_start3A_300 = tpu.memref_squeeze %dma_start3A_299 : memref<1x16384xf32, #tpu.memory_space<hbm>> -> memref<16384xf32, #tpu.memory_space<hbm>>
        %dma_start3A_301 = tpu.memref_slice %dma_start3A_300[%mul3A_2] : memref<16384xf32, #tpu.memory_space<hbm>> -> memref<1024xf32, #tpu.memory_space<hbm>>
        tpu.enqueue_dma source(%arg10 : memref<1024xf32, #tpu.memory_space<vmem>>) target(%dma_start3A_301 : memref<1024xf32, #tpu.memory_space<hbm>>) target_semaphore(%arg17 : memref<!tpu.dma_semaphore, #tpu.memory_space<semaphore_mem>>)
        %dma_start3A_302 = arith.constant 5 : i32
        %dma_start3A_303 = arith.constant 0 : i32
        %dma_start3A_304 = tpu.memref_slice %arg3[%dma_start3A_302, %dma_start3A_303] : memref<10x16384xi32, #tpu.memory_space<hbm>> -> memref<1x16384xi32, #tpu.memory_space<hbm>>
        %dma_start3A_305 = tpu.memref_squeeze %dma_start3A_304 : memref<1x16384xi32, #tpu.memory_space<hbm>> -> memref<16384xi32, #tpu.memory_space<hbm>>
        %dma_start3A_306 = tpu.memref_slice %dma_start3A_305[%mul3A_2] : memref<16384xi32, #tpu.memory_space<hbm>> -> memref<1024xi32, #tpu.memory_space<hbm>>
        %dma_start3A_307 = arith.constant 0 : i32
        %dma_start3A_308 = tpu.memref_slice %arg3[%dma_start3A_302, %dma_start3A_307] : memref<10x16384xi32, #tpu.memory_space<hbm>> -> memref<1x16384xi32, #tpu.memory_space<hbm>>
        %dma_start3A_309 = tpu.memref_squeeze %dma_start3A_308 : memref<1x16384xi32, #tpu.memory_space<hbm>> -> memref<16384xi32, #tpu.memory_space<hbm>>
        %dma_start3A_310 = tpu.memref_slice %dma_start3A_309[%mul3A_2] : memref<16384xi32, #tpu.memory_space<hbm>> -> memref<1024xi32, #tpu.memory_space<hbm>>
        tpu.enqueue_dma source(%dma_start3A_310 : memref<1024xi32, #tpu.memory_space<hbm>>) target(%arg8 : memref<1024xi32, #tpu.memory_space<vmem>>) target_semaphore(%arg14 : memref<!tpu.dma_semaphore, #tpu.memory_space<semaphore_mem>>)
        %dma_wait3A_311 = arith.constant 0 : i32
        %dma_wait3A_312 = arith.constant 0 : i32
        %dma_wait3A_313 = tpu.memref_slice %arg4[%dma_wait3A_311, %dma_wait3A_312] : memref<640x16384xf32, #tpu.memory_space<hbm>> -> memref<1x16384xf32, #tpu.memory_space<hbm>>
        %dma_wait3A_314 = tpu.memref_squeeze %dma_wait3A_313 : memref<1x16384xf32, #tpu.memory_space<hbm>> -> memref<16384xf32, #tpu.memory_space<hbm>>
        %dma_wait3A_315 = arith.constant 0 : i32
        %dma_wait3A_316 = tpu.memref_slice %dma_wait3A_314[%dma_wait3A_315] : memref<16384xf32, #tpu.memory_space<hbm>> -> memref<1024xf32, #tpu.memory_space<hbm>>
        %dma_wait3A_317 = arith.constant 0 : i32
        %dma_wait3A_318 = tpu.memref_slice %arg4[%dma_wait3A_311, %dma_wait3A_317] : memref<640x16384xf32, #tpu.memory_space<hbm>> -> memref<1x16384xf32, #tpu.memory_space<hbm>>
        %dma_wait3A_319 = tpu.memref_squeeze %dma_wait3A_318 : memref<1x16384xf32, #tpu.memory_space<hbm>> -> memref<16384xf32, #tpu.memory_space<hbm>>
        %dma_wait3A_320 = arith.constant 0 : i32
        %dma_wait3A_321 = tpu.memref_slice %dma_wait3A_319[%dma_wait3A_320] : memref<16384xf32, #tpu.memory_space<hbm>> -> memref<1024xf32, #tpu.memory_space<hbm>>
        tpu.wait_dma2 semaphore(%arg17 : memref<!tpu.dma_semaphore, #tpu.memory_space<semaphore_mem>>) src(%dma_wait3A_321 : memref<1024xf32, #tpu.memory_space<hbm>>) dst(%arg10 : memref<1024xf32, #tpu.memory_space<vmem>>)
        %dma_wait3A_322 = arith.constant 0 : i32
        %dma_wait3A_323 = arith.constant 0 : i32
        %dma_wait3A_324 = tpu.memref_slice %arg3[%dma_wait3A_322, %dma_wait3A_323] : memref<10x16384xi32, #tpu.memory_space<hbm>> -> memref<1x16384xi32, #tpu.memory_space<hbm>>
        %dma_wait3A_325 = tpu.memref_squeeze %dma_wait3A_324 : memref<1x16384xi32, #tpu.memory_space<hbm>> -> memref<16384xi32, #tpu.memory_space<hbm>>
        %dma_wait3A_326 = arith.constant 0 : i32
        %dma_wait3A_327 = tpu.memref_slice %dma_wait3A_325[%dma_wait3A_326] : memref<16384xi32, #tpu.memory_space<hbm>> -> memref<1024xi32, #tpu.memory_space<hbm>>
        %dma_wait3A_328 = arith.constant 0 : i32
        %dma_wait3A_329 = tpu.memref_slice %arg3[%dma_wait3A_322, %dma_wait3A_328] : memref<10x16384xi32, #tpu.memory_space<hbm>> -> memref<1x16384xi32, #tpu.memory_space<hbm>>
        %dma_wait3A_330 = tpu.memref_squeeze %dma_wait3A_329 : memref<1x16384xi32, #tpu.memory_space<hbm>> -> memref<16384xi32, #tpu.memory_space<hbm>>
        %dma_wait3A_331 = arith.constant 0 : i32
        %dma_wait3A_332 = tpu.memref_slice %dma_wait3A_330[%dma_wait3A_331] : memref<16384xi32, #tpu.memory_space<hbm>> -> memref<1024xi32, #tpu.memory_space<hbm>>
        tpu.wait_dma2 semaphore(%arg14 : memref<!tpu.dma_semaphore, #tpu.memory_space<semaphore_mem>>) src(%dma_wait3A_332 : memref<1024xi32, #tpu.memory_space<hbm>>) dst(%arg8 : memref<1024xi32, #tpu.memory_space<vmem>>)
        %dma_start3A_333 = arith.constant 0 : i32
        %dma_start3A_334 = tpu.memref_slice %arg5[%dma_start3A_333] : memref<1000000xf32, #tpu.memory_space<vmem_shared>> -> memref<1000000xf32, #tpu.memory_space<vmem_shared>>
        tpu.enqueue_indirect_dma source(%dma_start3A_334 : memref<1000000xf32, #tpu.memory_space<vmem_shared>>) target(%arg10 : memref<1024xf32, #tpu.memory_space<vmem>>) offsets(%arg8 : memref<1024xi32, #tpu.memory_space<vmem>>) semaphore(%arg15 : memref<!tpu.dma_semaphore, #tpu.memory_space<semaphore_mem>>)
        %dma_wait3A_335 = arith.constant 0 : i32
        %dma_wait3A_336 = arith.constant 0 : i32
        %dma_wait3A_337 = tpu.memref_slice %arg4[%dma_wait3A_335, %dma_wait3A_336] : memref<640x16384xf32, #tpu.memory_space<hbm>> -> memref<1x16384xf32, #tpu.memory_space<hbm>>
        %dma_wait3A_338 = tpu.memref_squeeze %dma_wait3A_337 : memref<1x16384xf32, #tpu.memory_space<hbm>> -> memref<16384xf32, #tpu.memory_space<hbm>>
        %dma_wait3A_339 = arith.constant 0 : i32
        %dma_wait3A_340 = tpu.memref_slice %dma_wait3A_338[%dma_wait3A_339] : memref<16384xf32, #tpu.memory_space<hbm>> -> memref<1024xf32, #tpu.memory_space<hbm>>
        %dma_wait3A_341 = arith.constant 0 : i32
        %dma_wait3A_342 = tpu.memref_slice %arg4[%dma_wait3A_335, %dma_wait3A_341] : memref<640x16384xf32, #tpu.memory_space<hbm>> -> memref<1x16384xf32, #tpu.memory_space<hbm>>
        %dma_wait3A_343 = tpu.memref_squeeze %dma_wait3A_342 : memref<1x16384xf32, #tpu.memory_space<hbm>> -> memref<16384xf32, #tpu.memory_space<hbm>>
        %dma_wait3A_344 = arith.constant 0 : i32
        %dma_wait3A_345 = tpu.memref_slice %dma_wait3A_343[%dma_wait3A_344] : memref<16384xf32, #tpu.memory_space<hbm>> -> memref<1024xf32, #tpu.memory_space<hbm>>
        tpu.wait_dma2 semaphore(%arg15 : memref<!tpu.dma_semaphore, #tpu.memory_space<semaphore_mem>>) src(%dma_wait3A_345 : memref<1024xf32, #tpu.memory_space<hbm>>) dst(%arg9 : memref<1024xf32, #tpu.memory_space<vmem>>)
        %add3A_346 = arith.constant 256 : i32
        %add3A_347 = arith.addi %add3A_346, %add3A : i32
        %dma_start3A_348 = arith.constant 0 : i32
        %dma_start3A_349 = tpu.memref_slice %arg4[%add3A_347, %dma_start3A_348] : memref<640x16384xf32, #tpu.memory_space<hbm>> -> memref<1x16384xf32, #tpu.memory_space<hbm>>
        %dma_start3A_350 = tpu.memref_squeeze %dma_start3A_349 : memref<1x16384xf32, #tpu.memory_space<hbm>> -> memref<16384xf32, #tpu.memory_space<hbm>>
        %dma_start3A_351 = tpu.memref_slice %dma_start3A_350[%mul3A_2] : memref<16384xf32, #tpu.memory_space<hbm>> -> memref<1024xf32, #tpu.memory_space<hbm>>
        %dma_start3A_352 = arith.constant 0 : i32
        %dma_start3A_353 = tpu.memref_slice %arg4[%add3A_347, %dma_start3A_352] : memref<640x16384xf32, #tpu.memory_space<hbm>> -> memref<1x16384xf32, #tpu.memory_space<hbm>>
        %dma_start3A_354 = tpu.memref_squeeze %dma_start3A_353 : memref<1x16384xf32, #tpu.memory_space<hbm>> -> memref<16384xf32, #tpu.memory_space<hbm>>
        %dma_start3A_355 = tpu.memref_slice %dma_start3A_354[%mul3A_2] : memref<16384xf32, #tpu.memory_space<hbm>> -> memref<1024xf32, #tpu.memory_space<hbm>>
        tpu.enqueue_dma source(%arg9 : memref<1024xf32, #tpu.memory_space<vmem>>) target(%dma_start3A_355 : memref<1024xf32, #tpu.memory_space<hbm>>) target_semaphore(%arg16 : memref<!tpu.dma_semaphore, #tpu.memory_space<semaphore_mem>>)
        %dma_start3A_356 = arith.constant 6 : i32
        %dma_start3A_357 = arith.constant 0 : i32
        %dma_start3A_358 = tpu.memref_slice %arg3[%dma_start3A_356, %dma_start3A_357] : memref<10x16384xi32, #tpu.memory_space<hbm>> -> memref<1x16384xi32, #tpu.memory_space<hbm>>
        %dma_start3A_359 = tpu.memref_squeeze %dma_start3A_358 : memref<1x16384xi32, #tpu.memory_space<hbm>> -> memref<16384xi32, #tpu.memory_space<hbm>>
        %dma_start3A_360 = tpu.memref_slice %dma_start3A_359[%mul3A_2] : memref<16384xi32, #tpu.memory_space<hbm>> -> memref<1024xi32, #tpu.memory_space<hbm>>
        %dma_start3A_361 = arith.constant 0 : i32
        %dma_start3A_362 = tpu.memref_slice %arg3[%dma_start3A_356, %dma_start3A_361] : memref<10x16384xi32, #tpu.memory_space<hbm>> -> memref<1x16384xi32, #tpu.memory_space<hbm>>
        %dma_start3A_363 = tpu.memref_squeeze %dma_start3A_362 : memref<1x16384xi32, #tpu.memory_space<hbm>> -> memref<16384xi32, #tpu.memory_space<hbm>>
        %dma_start3A_364 = tpu.memref_slice %dma_start3A_363[%mul3A_2] : memref<16384xi32, #tpu.memory_space<hbm>> -> memref<1024xi32, #tpu.memory_space<hbm>>
        tpu.enqueue_dma source(%dma_start3A_364 : memref<1024xi32, #tpu.memory_space<hbm>>) target(%arg7 : memref<1024xi32, #tpu.memory_space<vmem>>) target_semaphore(%arg13 : memref<!tpu.dma_semaphore, #tpu.memory_space<semaphore_mem>>)
        %dma_wait3A_365 = arith.constant 0 : i32
        %dma_wait3A_366 = arith.constant 0 : i32
        %dma_wait3A_367 = tpu.memref_slice %arg4[%dma_wait3A_365, %dma_wait3A_366] : memref<640x16384xf32, #tpu.memory_space<hbm>> -> memref<1x16384xf32, #tpu.memory_space<hbm>>
        %dma_wait3A_368 = tpu.memref_squeeze %dma_wait3A_367 : memref<1x16384xf32, #tpu.memory_space<hbm>> -> memref<16384xf32, #tpu.memory_space<hbm>>
        %dma_wait3A_369 = arith.constant 0 : i32
        %dma_wait3A_370 = tpu.memref_slice %dma_wait3A_368[%dma_wait3A_369] : memref<16384xf32, #tpu.memory_space<hbm>> -> memref<1024xf32, #tpu.memory_space<hbm>>
        %dma_wait3A_371 = arith.constant 0 : i32
        %dma_wait3A_372 = tpu.memref_slice %arg4[%dma_wait3A_365, %dma_wait3A_371] : memref<640x16384xf32, #tpu.memory_space<hbm>> -> memref<1x16384xf32, #tpu.memory_space<hbm>>
        %dma_wait3A_373 = tpu.memref_squeeze %dma_wait3A_372 : memref<1x16384xf32, #tpu.memory_space<hbm>> -> memref<16384xf32, #tpu.memory_space<hbm>>
        %dma_wait3A_374 = arith.constant 0 : i32
        %dma_wait3A_375 = tpu.memref_slice %dma_wait3A_373[%dma_wait3A_374] : memref<16384xf32, #tpu.memory_space<hbm>> -> memref<1024xf32, #tpu.memory_space<hbm>>
        tpu.wait_dma2 semaphore(%arg16 : memref<!tpu.dma_semaphore, #tpu.memory_space<semaphore_mem>>) src(%dma_wait3A_375 : memref<1024xf32, #tpu.memory_space<hbm>>) dst(%arg9 : memref<1024xf32, #tpu.memory_space<vmem>>)
        %dma_wait3A_376 = arith.constant 0 : i32
        %dma_wait3A_377 = arith.constant 0 : i32
        %dma_wait3A_378 = tpu.memref_slice %arg3[%dma_wait3A_376, %dma_wait3A_377] : memref<10x16384xi32, #tpu.memory_space<hbm>> -> memref<1x16384xi32, #tpu.memory_space<hbm>>
        %dma_wait3A_379 = tpu.memref_squeeze %dma_wait3A_378 : memref<1x16384xi32, #tpu.memory_space<hbm>> -> memref<16384xi32, #tpu.memory_space<hbm>>
        %dma_wait3A_380 = arith.constant 0 : i32
        %dma_wait3A_381 = tpu.memref_slice %dma_wait3A_379[%dma_wait3A_380] : memref<16384xi32, #tpu.memory_space<hbm>> -> memref<1024xi32, #tpu.memory_space<hbm>>
        %dma_wait3A_382 = arith.constant 0 : i32
        %dma_wait3A_383 = tpu.memref_slice %arg3[%dma_wait3A_376, %dma_wait3A_382] : memref<10x16384xi32, #tpu.memory_space<hbm>> -> memref<1x16384xi32, #tpu.memory_space<hbm>>
        %dma_wait3A_384 = tpu.memref_squeeze %dma_wait3A_383 : memref<1x16384xi32, #tpu.memory_space<hbm>> -> memref<16384xi32, #tpu.memory_space<hbm>>
        %dma_wait3A_385 = arith.constant 0 : i32
        %dma_wait3A_386 = tpu.memref_slice %dma_wait3A_384[%dma_wait3A_385] : memref<16384xi32, #tpu.memory_space<hbm>> -> memref<1024xi32, #tpu.memory_space<hbm>>
        tpu.wait_dma2 semaphore(%arg13 : memref<!tpu.dma_semaphore, #tpu.memory_space<semaphore_mem>>) src(%dma_wait3A_386 : memref<1024xi32, #tpu.memory_space<hbm>>) dst(%arg7 : memref<1024xi32, #tpu.memory_space<vmem>>)
        %dma_start3A_387 = arith.constant 0 : i32
        %dma_start3A_388 = tpu.memref_slice %arg5[%dma_start3A_387] : memref<1000000xf32, #tpu.memory_space<vmem_shared>> -> memref<1000000xf32, #tpu.memory_space<vmem_shared>>
        tpu.enqueue_indirect_dma source(%dma_start3A_388 : memref<1000000xf32, #tpu.memory_space<vmem_shared>>) target(%arg9 : memref<1024xf32, #tpu.memory_space<vmem>>) offsets(%arg7 : memref<1024xi32, #tpu.memory_space<vmem>>) semaphore(%arg15 : memref<!tpu.dma_semaphore, #tpu.memory_space<semaphore_mem>>)
        %dma_wait3A_389 = arith.constant 0 : i32
        %dma_wait3A_390 = arith.constant 0 : i32
        %dma_wait3A_391 = tpu.memref_slice %arg4[%dma_wait3A_389, %dma_wait3A_390] : memref<640x16384xf32, #tpu.memory_space<hbm>> -> memref<1x16384xf32, #tpu.memory_space<hbm>>
        %dma_wait3A_392 = tpu.memref_squeeze %dma_wait3A_391 : memref<1x16384xf32, #tpu.memory_space<hbm>> -> memref<16384xf32, #tpu.memory_space<hbm>>
        %dma_wait3A_393 = arith.constant 0 : i32
        %dma_wait3A_394 = tpu.memref_slice %dma_wait3A_392[%dma_wait3A_393] : memref<16384xf32, #tpu.memory_space<hbm>> -> memref<1024xf32, #tpu.memory_space<hbm>>
        %dma_wait3A_395 = arith.constant 0 : i32
        %dma_wait3A_396 = tpu.memref_slice %arg4[%dma_wait3A_389, %dma_wait3A_395] : memref<640x16384xf32, #tpu.memory_space<hbm>> -> memref<1x16384xf32, #tpu.memory_space<hbm>>
        %dma_wait3A_397 = tpu.memref_squeeze %dma_wait3A_396 : memref<1x16384xf32, #tpu.memory_space<hbm>> -> memref<16384xf32, #tpu.memory_space<hbm>>
        %dma_wait3A_398 = arith.constant 0 : i32
        %dma_wait3A_399 = tpu.memref_slice %dma_wait3A_397[%dma_wait3A_398] : memref<16384xf32, #tpu.memory_space<hbm>> -> memref<1024xf32, #tpu.memory_space<hbm>>
        tpu.wait_dma2 semaphore(%arg15 : memref<!tpu.dma_semaphore, #tpu.memory_space<semaphore_mem>>) src(%dma_wait3A_399 : memref<1024xf32, #tpu.memory_space<hbm>>) dst(%arg10 : memref<1024xf32, #tpu.memory_space<vmem>>)
        %add3A_400 = arith.constant 320 : i32
        %add3A_401 = arith.addi %add3A_400, %add3A : i32
        %dma_start3A_402 = arith.constant 0 : i32
        %dma_start3A_403 = tpu.memref_slice %arg4[%add3A_401, %dma_start3A_402] : memref<640x16384xf32, #tpu.memory_space<hbm>> -> memref<1x16384xf32, #tpu.memory_space<hbm>>
        %dma_start3A_404 = tpu.memref_squeeze %dma_start3A_403 : memref<1x16384xf32, #tpu.memory_space<hbm>> -> memref<16384xf32, #tpu.memory_space<hbm>>
        %dma_start3A_405 = tpu.memref_slice %dma_start3A_404[%mul3A_2] : memref<16384xf32, #tpu.memory_space<hbm>> -> memref<1024xf32, #tpu.memory_space<hbm>>
        %dma_start3A_406 = arith.constant 0 : i32
        %dma_start3A_407 = tpu.memref_slice %arg4[%add3A_401, %dma_start3A_406] : memref<640x16384xf32, #tpu.memory_space<hbm>> -> memref<1x16384xf32, #tpu.memory_space<hbm>>
        %dma_start3A_408 = tpu.memref_squeeze %dma_start3A_407 : memref<1x16384xf32, #tpu.memory_space<hbm>> -> memref<16384xf32, #tpu.memory_space<hbm>>
        %dma_start3A_409 = tpu.memref_slice %dma_start3A_408[%mul3A_2] : memref<16384xf32, #tpu.memory_space<hbm>> -> memref<1024xf32, #tpu.memory_space<hbm>>
        tpu.enqueue_dma source(%arg10 : memref<1024xf32, #tpu.memory_space<vmem>>) target(%dma_start3A_409 : memref<1024xf32, #tpu.memory_space<hbm>>) target_semaphore(%arg17 : memref<!tpu.dma_semaphore, #tpu.memory_space<semaphore_mem>>)
        %dma_start3A_410 = arith.constant 7 : i32
        %dma_start3A_411 = arith.constant 0 : i32
        %dma_start3A_412 = tpu.memref_slice %arg3[%dma_start3A_410, %dma_start3A_411] : memref<10x16384xi32, #tpu.memory_space<hbm>> -> memref<1x16384xi32, #tpu.memory_space<hbm>>
        %dma_start3A_413 = tpu.memref_squeeze %dma_start3A_412 : memref<1x16384xi32, #tpu.memory_space<hbm>> -> memref<16384xi32, #tpu.memory_space<hbm>>
        %dma_start3A_414 = tpu.memref_slice %dma_start3A_413[%mul3A_2] : memref<16384xi32, #tpu.memory_space<hbm>> -> memref<1024xi32, #tpu.memory_space<hbm>>
        %dma_start3A_415 = arith.constant 0 : i32
        %dma_start3A_416 = tpu.memref_slice %arg3[%dma_start3A_410, %dma_start3A_415] : memref<10x16384xi32, #tpu.memory_space<hbm>> -> memref<1x16384xi32, #tpu.memory_space<hbm>>
        %dma_start3A_417 = tpu.memref_squeeze %dma_start3A_416 : memref<1x16384xi32, #tpu.memory_space<hbm>> -> memref<16384xi32, #tpu.memory_space<hbm>>
        %dma_start3A_418 = tpu.memref_slice %dma_start3A_417[%mul3A_2] : memref<16384xi32, #tpu.memory_space<hbm>> -> memref<1024xi32, #tpu.memory_space<hbm>>
        tpu.enqueue_dma source(%dma_start3A_418 : memref<1024xi32, #tpu.memory_space<hbm>>) target(%arg8 : memref<1024xi32, #tpu.memory_space<vmem>>) target_semaphore(%arg14 : memref<!tpu.dma_semaphore, #tpu.memory_space<semaphore_mem>>)
        %dma_wait3A_419 = arith.constant 0 : i32
        %dma_wait3A_420 = arith.constant 0 : i32
        %dma_wait3A_421 = tpu.memref_slice %arg4[%dma_wait3A_419, %dma_wait3A_420] : memref<640x16384xf32, #tpu.memory_space<hbm>> -> memref<1x16384xf32, #tpu.memory_space<hbm>>
        %dma_wait3A_422 = tpu.memref_squeeze %dma_wait3A_421 : memref<1x16384xf32, #tpu.memory_space<hbm>> -> memref<16384xf32, #tpu.memory_space<hbm>>
        %dma_wait3A_423 = arith.constant 0 : i32
        %dma_wait3A_424 = tpu.memref_slice %dma_wait3A_422[%dma_wait3A_423] : memref<16384xf32, #tpu.memory_space<hbm>> -> memref<1024xf32, #tpu.memory_space<hbm>>
        %dma_wait3A_425 = arith.constant 0 : i32
        %dma_wait3A_426 = tpu.memref_slice %arg4[%dma_wait3A_419, %dma_wait3A_425] : memref<640x16384xf32, #tpu.memory_space<hbm>> -> memref<1x16384xf32, #tpu.memory_space<hbm>>
        %dma_wait3A_427 = tpu.memref_squeeze %dma_wait3A_426 : memref<1x16384xf32, #tpu.memory_space<hbm>> -> memref<16384xf32, #tpu.memory_space<hbm>>
        %dma_wait3A_428 = arith.constant 0 : i32
        %dma_wait3A_429 = tpu.memref_slice %dma_wait3A_427[%dma_wait3A_428] : memref<16384xf32, #tpu.memory_space<hbm>> -> memref<1024xf32, #tpu.memory_space<hbm>>
        tpu.wait_dma2 semaphore(%arg17 : memref<!tpu.dma_semaphore, #tpu.memory_space<semaphore_mem>>) src(%dma_wait3A_429 : memref<1024xf32, #tpu.memory_space<hbm>>) dst(%arg10 : memref<1024xf32, #tpu.memory_space<vmem>>)
        %dma_wait3A_430 = arith.constant 0 : i32
        %dma_wait3A_431 = arith.constant 0 : i32
        %dma_wait3A_432 = tpu.memref_slice %arg3[%dma_wait3A_430, %dma_wait3A_431] : memref<10x16384xi32, #tpu.memory_space<hbm>> -> memref<1x16384xi32, #tpu.memory_space<hbm>>
        %dma_wait3A_433 = tpu.memref_squeeze %dma_wait3A_432 : memref<1x16384xi32, #tpu.memory_space<hbm>> -> memref<16384xi32, #tpu.memory_space<hbm>>
        %dma_wait3A_434 = arith.constant 0 : i32
        %dma_wait3A_435 = tpu.memref_slice %dma_wait3A_433[%dma_wait3A_434] : memref<16384xi32, #tpu.memory_space<hbm>> -> memref<1024xi32, #tpu.memory_space<hbm>>
        %dma_wait3A_436 = arith.constant 0 : i32
        %dma_wait3A_437 = tpu.memref_slice %arg3[%dma_wait3A_430, %dma_wait3A_436] : memref<10x16384xi32, #tpu.memory_space<hbm>> -> memref<1x16384xi32, #tpu.memory_space<hbm>>
        %dma_wait3A_438 = tpu.memref_squeeze %dma_wait3A_437 : memref<1x16384xi32, #tpu.memory_space<hbm>> -> memref<16384xi32, #tpu.memory_space<hbm>>
        %dma_wait3A_439 = arith.constant 0 : i32
        %dma_wait3A_440 = tpu.memref_slice %dma_wait3A_438[%dma_wait3A_439] : memref<16384xi32, #tpu.memory_space<hbm>> -> memref<1024xi32, #tpu.memory_space<hbm>>
        tpu.wait_dma2 semaphore(%arg14 : memref<!tpu.dma_semaphore, #tpu.memory_space<semaphore_mem>>) src(%dma_wait3A_440 : memref<1024xi32, #tpu.memory_space<hbm>>) dst(%arg8 : memref<1024xi32, #tpu.memory_space<vmem>>)
        %dma_start3A_441 = arith.constant 0 : i32
        %dma_start3A_442 = tpu.memref_slice %arg5[%dma_start3A_441] : memref<1000000xf32, #tpu.memory_space<vmem_shared>> -> memref<1000000xf32, #tpu.memory_space<vmem_shared>>
        tpu.enqueue_indirect_dma source(%dma_start3A_442 : memref<1000000xf32, #tpu.memory_space<vmem_shared>>) target(%arg10 : memref<1024xf32, #tpu.memory_space<vmem>>) offsets(%arg8 : memref<1024xi32, #tpu.memory_space<vmem>>) semaphore(%arg15 : memref<!tpu.dma_semaphore, #tpu.memory_space<semaphore_mem>>)
        %dma_wait3A_443 = arith.constant 0 : i32
        %dma_wait3A_444 = arith.constant 0 : i32
        %dma_wait3A_445 = tpu.memref_slice %arg4[%dma_wait3A_443, %dma_wait3A_444] : memref<640x16384xf32, #tpu.memory_space<hbm>> -> memref<1x16384xf32, #tpu.memory_space<hbm>>
        %dma_wait3A_446 = tpu.memref_squeeze %dma_wait3A_445 : memref<1x16384xf32, #tpu.memory_space<hbm>> -> memref<16384xf32, #tpu.memory_space<hbm>>
        %dma_wait3A_447 = arith.constant 0 : i32
        %dma_wait3A_448 = tpu.memref_slice %dma_wait3A_446[%dma_wait3A_447] : memref<16384xf32, #tpu.memory_space<hbm>> -> memref<1024xf32, #tpu.memory_space<hbm>>
        %dma_wait3A_449 = arith.constant 0 : i32
        %dma_wait3A_450 = tpu.memref_slice %arg4[%dma_wait3A_443, %dma_wait3A_449] : memref<640x16384xf32, #tpu.memory_space<hbm>> -> memref<1x16384xf32, #tpu.memory_space<hbm>>
        %dma_wait3A_451 = tpu.memref_squeeze %dma_wait3A_450 : memref<1x16384xf32, #tpu.memory_space<hbm>> -> memref<16384xf32, #tpu.memory_space<hbm>>
        %dma_wait3A_452 = arith.constant 0 : i32
        %dma_wait3A_453 = tpu.memref_slice %dma_wait3A_451[%dma_wait3A_452] : memref<16384xf32, #tpu.memory_space<hbm>> -> memref<1024xf32, #tpu.memory_space<hbm>>
        tpu.wait_dma2 semaphore(%arg15 : memref<!tpu.dma_semaphore, #tpu.memory_space<semaphore_mem>>) src(%dma_wait3A_453 : memref<1024xf32, #tpu.memory_space<hbm>>) dst(%arg9 : memref<1024xf32, #tpu.memory_space<vmem>>)
        %add3A_454 = arith.constant 384 : i32
        %add3A_455 = arith.addi %add3A_454, %add3A : i32
        %dma_start3A_456 = arith.constant 0 : i32
        %dma_start3A_457 = tpu.memref_slice %arg4[%add3A_455, %dma_start3A_456] : memref<640x16384xf32, #tpu.memory_space<hbm>> -> memref<1x16384xf32, #tpu.memory_space<hbm>>
        %dma_start3A_458 = tpu.memref_squeeze %dma_start3A_457 : memref<1x16384xf32, #tpu.memory_space<hbm>> -> memref<16384xf32, #tpu.memory_space<hbm>>
        %dma_start3A_459 = tpu.memref_slice %dma_start3A_458[%mul3A_2] : memref<16384xf32, #tpu.memory_space<hbm>> -> memref<1024xf32, #tpu.memory_space<hbm>>
        %dma_start3A_460 = arith.constant 0 : i32
        %dma_start3A_461 = tpu.memref_slice %arg4[%add3A_455, %dma_start3A_460] : memref<640x16384xf32, #tpu.memory_space<hbm>> -> memref<1x16384xf32, #tpu.memory_space<hbm>>
        %dma_start3A_462 = tpu.memref_squeeze %dma_start3A_461 : memref<1x16384xf32, #tpu.memory_space<hbm>> -> memref<16384xf32, #tpu.memory_space<hbm>>
        %dma_start3A_463 = tpu.memref_slice %dma_start3A_462[%mul3A_2] : memref<16384xf32, #tpu.memory_space<hbm>> -> memref<1024xf32, #tpu.memory_space<hbm>>
        tpu.enqueue_dma source(%arg9 : memref<1024xf32, #tpu.memory_space<vmem>>) target(%dma_start3A_463 : memref<1024xf32, #tpu.memory_space<hbm>>) target_semaphore(%arg16 : memref<!tpu.dma_semaphore, #tpu.memory_space<semaphore_mem>>)
        %dma_start3A_464 = arith.constant 8 : i32
        %dma_start3A_465 = arith.constant 0 : i32
        %dma_start3A_466 = tpu.memref_slice %arg3[%dma_start3A_464, %dma_start3A_465] : memref<10x16384xi32, #tpu.memory_space<hbm>> -> memref<1x16384xi32, #tpu.memory_space<hbm>>
        %dma_start3A_467 = tpu.memref_squeeze %dma_start3A_466 : memref<1x16384xi32, #tpu.memory_space<hbm>> -> memref<16384xi32, #tpu.memory_space<hbm>>
        %dma_start3A_468 = tpu.memref_slice %dma_start3A_467[%mul3A_2] : memref<16384xi32, #tpu.memory_space<hbm>> -> memref<1024xi32, #tpu.memory_space<hbm>>
        %dma_start3A_469 = arith.constant 0 : i32
        %dma_start3A_470 = tpu.memref_slice %arg3[%dma_start3A_464, %dma_start3A_469] : memref<10x16384xi32, #tpu.memory_space<hbm>> -> memref<1x16384xi32, #tpu.memory_space<hbm>>
        %dma_start3A_471 = tpu.memref_squeeze %dma_start3A_470 : memref<1x16384xi32, #tpu.memory_space<hbm>> -> memref<16384xi32, #tpu.memory_space<hbm>>
        %dma_start3A_472 = tpu.memref_slice %dma_start3A_471[%mul3A_2] : memref<16384xi32, #tpu.memory_space<hbm>> -> memref<1024xi32, #tpu.memory_space<hbm>>
        tpu.enqueue_dma source(%dma_start3A_472 : memref<1024xi32, #tpu.memory_space<hbm>>) target(%arg7 : memref<1024xi32, #tpu.memory_space<vmem>>) target_semaphore(%arg13 : memref<!tpu.dma_semaphore, #tpu.memory_space<semaphore_mem>>)
        %dma_wait3A_473 = arith.constant 0 : i32
        %dma_wait3A_474 = arith.constant 0 : i32
        %dma_wait3A_475 = tpu.memref_slice %arg4[%dma_wait3A_473, %dma_wait3A_474] : memref<640x16384xf32, #tpu.memory_space<hbm>> -> memref<1x16384xf32, #tpu.memory_space<hbm>>
        %dma_wait3A_476 = tpu.memref_squeeze %dma_wait3A_475 : memref<1x16384xf32, #tpu.memory_space<hbm>> -> memref<16384xf32, #tpu.memory_space<hbm>>
        %dma_wait3A_477 = arith.constant 0 : i32
        %dma_wait3A_478 = tpu.memref_slice %dma_wait3A_476[%dma_wait3A_477] : memref<16384xf32, #tpu.memory_space<hbm>> -> memref<1024xf32, #tpu.memory_space<hbm>>
        %dma_wait3A_479 = arith.constant 0 : i32
        %dma_wait3A_480 = tpu.memref_slice %arg4[%dma_wait3A_473, %dma_wait3A_479] : memref<640x16384xf32, #tpu.memory_space<hbm>> -> memref<1x16384xf32, #tpu.memory_space<hbm>>
        %dma_wait3A_481 = tpu.memref_squeeze %dma_wait3A_480 : memref<1x16384xf32, #tpu.memory_space<hbm>> -> memref<16384xf32, #tpu.memory_space<hbm>>
        %dma_wait3A_482 = arith.constant 0 : i32
        %dma_wait3A_483 = tpu.memref_slice %dma_wait3A_481[%dma_wait3A_482] : memref<16384xf32, #tpu.memory_space<hbm>> -> memref<1024xf32, #tpu.memory_space<hbm>>
        tpu.wait_dma2 semaphore(%arg16 : memref<!tpu.dma_semaphore, #tpu.memory_space<semaphore_mem>>) src(%dma_wait3A_483 : memref<1024xf32, #tpu.memory_space<hbm>>) dst(%arg9 : memref<1024xf32, #tpu.memory_space<vmem>>)
        %dma_wait3A_484 = arith.constant 0 : i32
        %dma_wait3A_485 = arith.constant 0 : i32
        %dma_wait3A_486 = tpu.memref_slice %arg3[%dma_wait3A_484, %dma_wait3A_485] : memref<10x16384xi32, #tpu.memory_space<hbm>> -> memref<1x16384xi32, #tpu.memory_space<hbm>>
        %dma_wait3A_487 = tpu.memref_squeeze %dma_wait3A_486 : memref<1x16384xi32, #tpu.memory_space<hbm>> -> memref<16384xi32, #tpu.memory_space<hbm>>
        %dma_wait3A_488 = arith.constant 0 : i32
        %dma_wait3A_489 = tpu.memref_slice %dma_wait3A_487[%dma_wait3A_488] : memref<16384xi32, #tpu.memory_space<hbm>> -> memref<1024xi32, #tpu.memory_space<hbm>>
        %dma_wait3A_490 = arith.constant 0 : i32
        %dma_wait3A_491 = tpu.memref_slice %arg3[%dma_wait3A_484, %dma_wait3A_490] : memref<10x16384xi32, #tpu.memory_space<hbm>> -> memref<1x16384xi32, #tpu.memory_space<hbm>>
        %dma_wait3A_492 = tpu.memref_squeeze %dma_wait3A_491 : memref<1x16384xi32, #tpu.memory_space<hbm>> -> memref<16384xi32, #tpu.memory_space<hbm>>
        %dma_wait3A_493 = arith.constant 0 : i32
        %dma_wait3A_494 = tpu.memref_slice %dma_wait3A_492[%dma_wait3A_493] : memref<16384xi32, #tpu.memory_space<hbm>> -> memref<1024xi32, #tpu.memory_space<hbm>>
        tpu.wait_dma2 semaphore(%arg13 : memref<!tpu.dma_semaphore, #tpu.memory_space<semaphore_mem>>) src(%dma_wait3A_494 : memref<1024xi32, #tpu.memory_space<hbm>>) dst(%arg7 : memref<1024xi32, #tpu.memory_space<vmem>>)
        %dma_start3A_495 = arith.constant 0 : i32
        %dma_start3A_496 = tpu.memref_slice %arg5[%dma_start3A_495] : memref<1000000xf32, #tpu.memory_space<vmem_shared>> -> memref<1000000xf32, #tpu.memory_space<vmem_shared>>
        tpu.enqueue_indirect_dma source(%dma_start3A_496 : memref<1000000xf32, #tpu.memory_space<vmem_shared>>) target(%arg9 : memref<1024xf32, #tpu.memory_space<vmem>>) offsets(%arg7 : memref<1024xi32, #tpu.memory_space<vmem>>) semaphore(%arg15 : memref<!tpu.dma_semaphore, #tpu.memory_space<semaphore_mem>>)
        %dma_wait3A_497 = arith.constant 0 : i32
        %dma_wait3A_498 = arith.constant 0 : i32
        %dma_wait3A_499 = tpu.memref_slice %arg4[%dma_wait3A_497, %dma_wait3A_498] : memref<640x16384xf32, #tpu.memory_space<hbm>> -> memref<1x16384xf32, #tpu.memory_space<hbm>>
        %dma_wait3A_500 = tpu.memref_squeeze %dma_wait3A_499 : memref<1x16384xf32, #tpu.memory_space<hbm>> -> memref<16384xf32, #tpu.memory_space<hbm>>
        %dma_wait3A_501 = arith.constant 0 : i32
        %dma_wait3A_502 = tpu.memref_slice %dma_wait3A_500[%dma_wait3A_501] : memref<16384xf32, #tpu.memory_space<hbm>> -> memref<1024xf32, #tpu.memory_space<hbm>>
        %dma_wait3A_503 = arith.constant 0 : i32
        %dma_wait3A_504 = tpu.memref_slice %arg4[%dma_wait3A_497, %dma_wait3A_503] : memref<640x16384xf32, #tpu.memory_space<hbm>> -> memref<1x16384xf32, #tpu.memory_space<hbm>>
        %dma_wait3A_505 = tpu.memref_squeeze %dma_wait3A_504 : memref<1x16384xf32, #tpu.memory_space<hbm>> -> memref<16384xf32, #tpu.memory_space<hbm>>
        %dma_wait3A_506 = arith.constant 0 : i32
        %dma_wait3A_507 = tpu.memref_slice %dma_wait3A_505[%dma_wait3A_506] : memref<16384xf32, #tpu.memory_space<hbm>> -> memref<1024xf32, #tpu.memory_space<hbm>>
        tpu.wait_dma2 semaphore(%arg15 : memref<!tpu.dma_semaphore, #tpu.memory_space<semaphore_mem>>) src(%dma_wait3A_507 : memref<1024xf32, #tpu.memory_space<hbm>>) dst(%arg10 : memref<1024xf32, #tpu.memory_space<vmem>>)
        %add3A_508 = arith.constant 448 : i32
        %add3A_509 = arith.addi %add3A_508, %add3A : i32
        %dma_start3A_510 = arith.constant 0 : i32
        %dma_start3A_511 = tpu.memref_slice %arg4[%add3A_509, %dma_start3A_510] : memref<640x16384xf32, #tpu.memory_space<hbm>> -> memref<1x16384xf32, #tpu.memory_space<hbm>>
        %dma_start3A_512 = tpu.memref_squeeze %dma_start3A_511 : memref<1x16384xf32, #tpu.memory_space<hbm>> -> memref<16384xf32, #tpu.memory_space<hbm>>
        %dma_start3A_513 = tpu.memref_slice %dma_start3A_512[%mul3A_2] : memref<16384xf32, #tpu.memory_space<hbm>> -> memref<1024xf32, #tpu.memory_space<hbm>>
        %dma_start3A_514 = arith.constant 0 : i32
        %dma_start3A_515 = tpu.memref_slice %arg4[%add3A_509, %dma_start3A_514] : memref<640x16384xf32, #tpu.memory_space<hbm>> -> memref<1x16384xf32, #tpu.memory_space<hbm>>
        %dma_start3A_516 = tpu.memref_squeeze %dma_start3A_515 : memref<1x16384xf32, #tpu.memory_space<hbm>> -> memref<16384xf32, #tpu.memory_space<hbm>>
        %dma_start3A_517 = tpu.memref_slice %dma_start3A_516[%mul3A_2] : memref<16384xf32, #tpu.memory_space<hbm>> -> memref<1024xf32, #tpu.memory_space<hbm>>
        tpu.enqueue_dma source(%arg10 : memref<1024xf32, #tpu.memory_space<vmem>>) target(%dma_start3A_517 : memref<1024xf32, #tpu.memory_space<hbm>>) target_semaphore(%arg17 : memref<!tpu.dma_semaphore, #tpu.memory_space<semaphore_mem>>)
        %dma_start3A_518 = arith.constant 9 : i32
        %dma_start3A_519 = arith.constant 0 : i32
        %dma_start3A_520 = tpu.memref_slice %arg3[%dma_start3A_518, %dma_start3A_519] : memref<10x16384xi32, #tpu.memory_space<hbm>> -> memref<1x16384xi32, #tpu.memory_space<hbm>>
        %dma_start3A_521 = tpu.memref_squeeze %dma_start3A_520 : memref<1x16384xi32, #tpu.memory_space<hbm>> -> memref<16384xi32, #tpu.memory_space<hbm>>
        %dma_start3A_522 = tpu.memref_slice %dma_start3A_521[%mul3A_2] : memref<16384xi32, #tpu.memory_space<hbm>> -> memref<1024xi32, #tpu.memory_space<hbm>>
        %dma_start3A_523 = arith.constant 0 : i32
        %dma_start3A_524 = tpu.memref_slice %arg3[%dma_start3A_518, %dma_start3A_523] : memref<10x16384xi32, #tpu.memory_space<hbm>> -> memref<1x16384xi32, #tpu.memory_space<hbm>>
        %dma_start3A_525 = tpu.memref_squeeze %dma_start3A_524 : memref<1x16384xi32, #tpu.memory_space<hbm>> -> memref<16384xi32, #tpu.memory_space<hbm>>
        %dma_start3A_526 = tpu.memref_slice %dma_start3A_525[%mul3A_2] : memref<16384xi32, #tpu.memory_space<hbm>> -> memref<1024xi32, #tpu.memory_space<hbm>>
        tpu.enqueue_dma source(%dma_start3A_526 : memref<1024xi32, #tpu.memory_space<hbm>>) target(%arg8 : memref<1024xi32, #tpu.memory_space<vmem>>) target_semaphore(%arg14 : memref<!tpu.dma_semaphore, #tpu.memory_space<semaphore_mem>>)
        %dma_wait3A_527 = arith.constant 0 : i32
        %dma_wait3A_528 = arith.constant 0 : i32
        %dma_wait3A_529 = tpu.memref_slice %arg4[%dma_wait3A_527, %dma_wait3A_528] : memref<640x16384xf32, #tpu.memory_space<hbm>> -> memref<1x16384xf32, #tpu.memory_space<hbm>>
        %dma_wait3A_530 = tpu.memref_squeeze %dma_wait3A_529 : memref<1x16384xf32, #tpu.memory_space<hbm>> -> memref<16384xf32, #tpu.memory_space<hbm>>
        %dma_wait3A_531 = arith.constant 0 : i32
        %dma_wait3A_532 = tpu.memref_slice %dma_wait3A_530[%dma_wait3A_531] : memref<16384xf32, #tpu.memory_space<hbm>> -> memref<1024xf32, #tpu.memory_space<hbm>>
        %dma_wait3A_533 = arith.constant 0 : i32
        %dma_wait3A_534 = tpu.memref_slice %arg4[%dma_wait3A_527, %dma_wait3A_533] : memref<640x16384xf32, #tpu.memory_space<hbm>> -> memref<1x16384xf32, #tpu.memory_space<hbm>>
        %dma_wait3A_535 = tpu.memref_squeeze %dma_wait3A_534 : memref<1x16384xf32, #tpu.memory_space<hbm>> -> memref<16384xf32, #tpu.memory_space<hbm>>
        %dma_wait3A_536 = arith.constant 0 : i32
        %dma_wait3A_537 = tpu.memref_slice %dma_wait3A_535[%dma_wait3A_536] : memref<16384xf32, #tpu.memory_space<hbm>> -> memref<1024xf32, #tpu.memory_space<hbm>>
        tpu.wait_dma2 semaphore(%arg17 : memref<!tpu.dma_semaphore, #tpu.memory_space<semaphore_mem>>) src(%dma_wait3A_537 : memref<1024xf32, #tpu.memory_space<hbm>>) dst(%arg10 : memref<1024xf32, #tpu.memory_space<vmem>>)
        %dma_wait3A_538 = arith.constant 0 : i32
        %dma_wait3A_539 = arith.constant 0 : i32
        %dma_wait3A_540 = tpu.memref_slice %arg3[%dma_wait3A_538, %dma_wait3A_539] : memref<10x16384xi32, #tpu.memory_space<hbm>> -> memref<1x16384xi32, #tpu.memory_space<hbm>>
        %dma_wait3A_541 = tpu.memref_squeeze %dma_wait3A_540 : memref<1x16384xi32, #tpu.memory_space<hbm>> -> memref<16384xi32, #tpu.memory_space<hbm>>
        %dma_wait3A_542 = arith.constant 0 : i32
        %dma_wait3A_543 = tpu.memref_slice %dma_wait3A_541[%dma_wait3A_542] : memref<16384xi32, #tpu.memory_space<hbm>> -> memref<1024xi32, #tpu.memory_space<hbm>>
        %dma_wait3A_544 = arith.constant 0 : i32
        %dma_wait3A_545 = tpu.memref_slice %arg3[%dma_wait3A_538, %dma_wait3A_544] : memref<10x16384xi32, #tpu.memory_space<hbm>> -> memref<1x16384xi32, #tpu.memory_space<hbm>>
        %dma_wait3A_546 = tpu.memref_squeeze %dma_wait3A_545 : memref<1x16384xi32, #tpu.memory_space<hbm>> -> memref<16384xi32, #tpu.memory_space<hbm>>
        %dma_wait3A_547 = arith.constant 0 : i32
        %dma_wait3A_548 = tpu.memref_slice %dma_wait3A_546[%dma_wait3A_547] : memref<16384xi32, #tpu.memory_space<hbm>> -> memref<1024xi32, #tpu.memory_space<hbm>>
        tpu.wait_dma2 semaphore(%arg14 : memref<!tpu.dma_semaphore, #tpu.memory_space<semaphore_mem>>) src(%dma_wait3A_548 : memref<1024xi32, #tpu.memory_space<hbm>>) dst(%arg8 : memref<1024xi32, #tpu.memory_space<vmem>>)
        %dma_start3A_549 = arith.constant 0 : i32
        %dma_start3A_550 = tpu.memref_slice %arg5[%dma_start3A_549] : memref<1000000xf32, #tpu.memory_space<vmem_shared>> -> memref<1000000xf32, #tpu.memory_space<vmem_shared>>
        tpu.enqueue_indirect_dma source(%dma_start3A_550 : memref<1000000xf32, #tpu.memory_space<vmem_shared>>) target(%arg10 : memref<1024xf32, #tpu.memory_space<vmem>>) offsets(%arg8 : memref<1024xi32, #tpu.memory_space<vmem>>) semaphore(%arg15 : memref<!tpu.dma_semaphore, #tpu.memory_space<semaphore_mem>>)
        %dma_wait3A_551 = arith.constant 0 : i32
        %dma_wait3A_552 = arith.constant 0 : i32
        %dma_wait3A_553 = tpu.memref_slice %arg4[%dma_wait3A_551, %dma_wait3A_552] : memref<640x16384xf32, #tpu.memory_space<hbm>> -> memref<1x16384xf32, #tpu.memory_space<hbm>>
        %dma_wait3A_554 = tpu.memref_squeeze %dma_wait3A_553 : memref<1x16384xf32, #tpu.memory_space<hbm>> -> memref<16384xf32, #tpu.memory_space<hbm>>
        %dma_wait3A_555 = arith.constant 0 : i32
        %dma_wait3A_556 = tpu.memref_slice %dma_wait3A_554[%dma_wait3A_555] : memref<16384xf32, #tpu.memory_space<hbm>> -> memref<1024xf32, #tpu.memory_space<hbm>>
        %dma_wait3A_557 = arith.constant 0 : i32
        %dma_wait3A_558 = tpu.memref_slice %arg4[%dma_wait3A_551, %dma_wait3A_557] : memref<640x16384xf32, #tpu.memory_space<hbm>> -> memref<1x16384xf32, #tpu.memory_space<hbm>>
        %dma_wait3A_559 = tpu.memref_squeeze %dma_wait3A_558 : memref<1x16384xf32, #tpu.memory_space<hbm>> -> memref<16384xf32, #tpu.memory_space<hbm>>
        %dma_wait3A_560 = arith.constant 0 : i32
        %dma_wait3A_561 = tpu.memref_slice %dma_wait3A_559[%dma_wait3A_560] : memref<16384xf32, #tpu.memory_space<hbm>> -> memref<1024xf32, #tpu.memory_space<hbm>>
        tpu.wait_dma2 semaphore(%arg15 : memref<!tpu.dma_semaphore, #tpu.memory_space<semaphore_mem>>) src(%dma_wait3A_561 : memref<1024xf32, #tpu.memory_space<hbm>>) dst(%arg9 : memref<1024xf32, #tpu.memory_space<vmem>>)
        %add3A_562 = arith.constant 512 : i32
        %add3A_563 = arith.addi %add3A_562, %add3A : i32
        %dma_start3A_564 = arith.constant 0 : i32
        %dma_start3A_565 = tpu.memref_slice %arg4[%add3A_563, %dma_start3A_564] : memref<640x16384xf32, #tpu.memory_space<hbm>> -> memref<1x16384xf32, #tpu.memory_space<hbm>>
        %dma_start3A_566 = tpu.memref_squeeze %dma_start3A_565 : memref<1x16384xf32, #tpu.memory_space<hbm>> -> memref<16384xf32, #tpu.memory_space<hbm>>
        %dma_start3A_567 = tpu.memref_slice %dma_start3A_566[%mul3A_2] : memref<16384xf32, #tpu.memory_space<hbm>> -> memref<1024xf32, #tpu.memory_space<hbm>>
        %dma_start3A_568 = arith.constant 0 : i32
        %dma_start3A_569 = tpu.memref_slice %arg4[%add3A_563, %dma_start3A_568] : memref<640x16384xf32, #tpu.memory_space<hbm>> -> memref<1x16384xf32, #tpu.memory_space<hbm>>
        %dma_start3A_570 = tpu.memref_squeeze %dma_start3A_569 : memref<1x16384xf32, #tpu.memory_space<hbm>> -> memref<16384xf32, #tpu.memory_space<hbm>>
        %dma_start3A_571 = tpu.memref_slice %dma_start3A_570[%mul3A_2] : memref<16384xf32, #tpu.memory_space<hbm>> -> memref<1024xf32, #tpu.memory_space<hbm>>
        tpu.enqueue_dma source(%arg9 : memref<1024xf32, #tpu.memory_space<vmem>>) target(%dma_start3A_571 : memref<1024xf32, #tpu.memory_space<hbm>>) target_semaphore(%arg16 : memref<!tpu.dma_semaphore, #tpu.memory_space<semaphore_mem>>)
        %dma_start3A_572 = arith.constant 0 : i32
        %dma_start3A_573 = arith.constant 0 : i32
        %dma_start3A_574 = tpu.memref_slice %arg3[%dma_start3A_572, %dma_start3A_573] : memref<10x16384xi32, #tpu.memory_space<hbm>> -> memref<1x16384xi32, #tpu.memory_space<hbm>>
        %dma_start3A_575 = tpu.memref_squeeze %dma_start3A_574 : memref<1x16384xi32, #tpu.memory_space<hbm>> -> memref<16384xi32, #tpu.memory_space<hbm>>
        %dma_start3A_576 = tpu.memref_slice %dma_start3A_575[%mul3A_2] : memref<16384xi32, #tpu.memory_space<hbm>> -> memref<1024xi32, #tpu.memory_space<hbm>>
        %dma_start3A_577 = arith.constant 0 : i32
        %dma_start3A_578 = tpu.memref_slice %arg3[%dma_start3A_572, %dma_start3A_577] : memref<10x16384xi32, #tpu.memory_space<hbm>> -> memref<1x16384xi32, #tpu.memory_space<hbm>>
        %dma_start3A_579 = tpu.memref_squeeze %dma_start3A_578 : memref<1x16384xi32, #tpu.memory_space<hbm>> -> memref<16384xi32, #tpu.memory_space<hbm>>
        %dma_start3A_580 = tpu.memref_slice %dma_start3A_579[%mul3A_2] : memref<16384xi32, #tpu.memory_space<hbm>> -> memref<1024xi32, #tpu.memory_space<hbm>>
        tpu.enqueue_dma source(%dma_start3A_580 : memref<1024xi32, #tpu.memory_space<hbm>>) target(%arg7 : memref<1024xi32, #tpu.memory_space<vmem>>) target_semaphore(%arg13 : memref<!tpu.dma_semaphore, #tpu.memory_space<semaphore_mem>>)
        %dma_wait3A_581 = arith.constant 0 : i32
        %dma_wait3A_582 = arith.constant 0 : i32
        %dma_wait3A_583 = tpu.memref_slice %arg4[%dma_wait3A_581, %dma_wait3A_582] : memref<640x16384xf32, #tpu.memory_space<hbm>> -> memref<1x16384xf32, #tpu.memory_space<hbm>>
        %dma_wait3A_584 = tpu.memref_squeeze %dma_wait3A_583 : memref<1x16384xf32, #tpu.memory_space<hbm>> -> memref<16384xf32, #tpu.memory_space<hbm>>
        %dma_wait3A_585 = arith.constant 0 : i32
        %dma_wait3A_586 = tpu.memref_slice %dma_wait3A_584[%dma_wait3A_585] : memref<16384xf32, #tpu.memory_space<hbm>> -> memref<1024xf32, #tpu.memory_space<hbm>>
        %dma_wait3A_587 = arith.constant 0 : i32
        %dma_wait3A_588 = tpu.memref_slice %arg4[%dma_wait3A_581, %dma_wait3A_587] : memref<640x16384xf32, #tpu.memory_space<hbm>> -> memref<1x16384xf32, #tpu.memory_space<hbm>>
        %dma_wait3A_589 = tpu.memref_squeeze %dma_wait3A_588 : memref<1x16384xf32, #tpu.memory_space<hbm>> -> memref<16384xf32, #tpu.memory_space<hbm>>
        %dma_wait3A_590 = arith.constant 0 : i32
        %dma_wait3A_591 = tpu.memref_slice %dma_wait3A_589[%dma_wait3A_590] : memref<16384xf32, #tpu.memory_space<hbm>> -> memref<1024xf32, #tpu.memory_space<hbm>>
        tpu.wait_dma2 semaphore(%arg15 : memref<!tpu.dma_semaphore, #tpu.memory_space<semaphore_mem>>) src(%dma_wait3A_591 : memref<1024xf32, #tpu.memory_space<hbm>>) dst(%arg10 : memref<1024xf32, #tpu.memory_space<vmem>>)
        %add3A_592 = arith.constant 576 : i32
        %add3A_593 = arith.addi %add3A_592, %add3A : i32
        %dma_start3A_594 = arith.constant 0 : i32
        %dma_start3A_595 = tpu.memref_slice %arg4[%add3A_593, %dma_start3A_594] : memref<640x16384xf32, #tpu.memory_space<hbm>> -> memref<1x16384xf32, #tpu.memory_space<hbm>>
        %dma_start3A_596 = tpu.memref_squeeze %dma_start3A_595 : memref<1x16384xf32, #tpu.memory_space<hbm>> -> memref<16384xf32, #tpu.memory_space<hbm>>
        %dma_start3A_597 = tpu.memref_slice %dma_start3A_596[%mul3A_2] : memref<16384xf32, #tpu.memory_space<hbm>> -> memref<1024xf32, #tpu.memory_space<hbm>>
        %dma_start3A_598 = arith.constant 0 : i32
        %dma_start3A_599 = tpu.memref_slice %arg4[%add3A_593, %dma_start3A_598] : memref<640x16384xf32, #tpu.memory_space<hbm>> -> memref<1x16384xf32, #tpu.memory_space<hbm>>
        %dma_start3A_600 = tpu.memref_squeeze %dma_start3A_599 : memref<1x16384xf32, #tpu.memory_space<hbm>> -> memref<16384xf32, #tpu.memory_space<hbm>>
        %dma_start3A_601 = tpu.memref_slice %dma_start3A_600[%mul3A_2] : memref<16384xf32, #tpu.memory_space<hbm>> -> memref<1024xf32, #tpu.memory_space<hbm>>
        tpu.enqueue_dma source(%arg10 : memref<1024xf32, #tpu.memory_space<vmem>>) target(%dma_start3A_601 : memref<1024xf32, #tpu.memory_space<hbm>>) target_semaphore(%arg17 : memref<!tpu.dma_semaphore, #tpu.memory_space<semaphore_mem>>)
        %barrier3A_602 = arith.constant 0 : index
        tpu.barrier barrier_id(%barrier3A_602)
      } else {
      }
      %rem3A_57 = arith.constant 2 : i32
      %rem3A_58 = arith.remsi %scan3A_50, %rem3A_57 : i32
      %eq3A_59 = arith.constant 1 : i32
      %eq3A_60 = arith.cmpi eq, %rem3A_58, %eq3A_59 : i32
      %convert_element_type3A_61 = arith.extui %eq3A_60 : i1 to i32
      %cond3A_62 = arith.constant 0 : i32
      %cond3A_63 = arith.cmpi ne, %convert_element_type3A_61, %cond3A_62 : i32
      scf.if %cond3A_63 {
        %eq3A_64 = arith.constant 0 : i32
        %eq3A_65 = arith.cmpi eq, %arg1, %eq3A_64 : i32
        %convert_element_type3A_66 = arith.extui %eq3A_65 : i1 to i32
        %cond3A_67 = arith.constant 0 : i32
        %cond3A_68 = arith.cmpi ne, %convert_element_type3A_66, %cond3A_67 : i32
        scf.if %cond3A_68 {
          %dma_wait3A_603 = arith.constant 0 : i32
          %dma_wait3A_604 = arith.constant 0 : i32
          %dma_wait3A_605 = tpu.memref_slice %arg2[%dma_wait3A_603, %dma_wait3A_604] : memref<64x1000000xf32, #tpu.memory_space<hbm>> -> memref<1x1000000xf32, #tpu.memory_space<hbm>>
          %dma_wait3A_606 = tpu.memref_squeeze %dma_wait3A_605 : memref<1x1000000xf32, #tpu.memory_space<hbm>> -> memref<1000000xf32, #tpu.memory_space<hbm>>
          tpu.wait_dma2 semaphore(%arg12 : memref<!tpu.dma_semaphore, #tpu.memory_space<semaphore_mem>>) src(%dma_wait3A_606 : memref<1000000xf32, #tpu.memory_space<hbm>>) dst(%arg6 : memref<1000000xf32, #tpu.memory_space<vmem_shared>>)
        } else {
        }
        %barrier3A = arith.constant 0 : index
        tpu.barrier barrier_id(%barrier3A)
        %add3A_69 = arith.constant 1 : i32
        %add3A_70 = arith.addi %scan3A_50, %add3A_69 : i32
        %lt3A = arith.constant 32 : i32
        %lt3A_71 = arith.cmpi slt, %add3A_70, %lt3A : i32
        %convert_element_type3A_72 = arith.extui %lt3A_71 : i1 to i32
        %cond3A_73 = arith.constant 0 : i32
        %cond3A_74 = arith.cmpi ne, %convert_element_type3A_72, %cond3A_73 : i32
        scf.if %cond3A_74 {
          %add3A_603 = arith.constant 1 : i32
          %add3A_604 = arith.addi %add3A, %add3A_603 : i32
          %eq3A_605 = arith.constant 0 : i32
          %eq3A_606 = arith.cmpi eq, %arg1, %eq3A_605 : i32
          %convert_element_type3A_607 = arith.extui %eq3A_606 : i1 to i32
          %cond3A_608 = arith.constant 0 : i32
          %cond3A_609 = arith.cmpi ne, %convert_element_type3A_607, %cond3A_608 : i32
          scf.if %cond3A_609 {
            %dma_start3A_610 = arith.constant 0 : i32
            %dma_start3A_611 = tpu.memref_slice %arg2[%add3A_604, %dma_start3A_610] : memref<64x1000000xf32, #tpu.memory_space<hbm>> -> memref<1x1000000xf32, #tpu.memory_space<hbm>>
            %dma_start3A_612 = tpu.memref_squeeze %dma_start3A_611 : memref<1x1000000xf32, #tpu.memory_space<hbm>> -> memref<1000000xf32, #tpu.memory_space<hbm>>
            tpu.enqueue_dma source(%dma_start3A_612 : memref<1000000xf32, #tpu.memory_space<hbm>>) target(%arg5 : memref<1000000xf32, #tpu.memory_space<vmem_shared>>) target_semaphore(%arg11 : memref<!tpu.dma_semaphore, #tpu.memory_space<semaphore_mem>>)
          } else {
          }
        } else {
        }
        %ge3A = arith.constant 1 : i32
        %ge3A_75 = arith.cmpi sge, %scan3A_50, %ge3A : i32
        %convert_element_type3A_76 = arith.extui %ge3A_75 : i1 to i32
        %cond3A_77 = arith.constant 0 : i32
        %cond3A_78 = arith.cmpi ne, %convert_element_type3A_76, %cond3A_77 : i32
        scf.if %cond3A_78 {
          %dma_wait3A_603 = arith.constant 0 : i32
          %dma_wait3A_604 = arith.constant 0 : i32
          %dma_wait3A_605 = tpu.memref_slice %arg4[%dma_wait3A_603, %dma_wait3A_604] : memref<640x16384xf32, #tpu.memory_space<hbm>> -> memref<1x16384xf32, #tpu.memory_space<hbm>>
          %dma_wait3A_606 = tpu.memref_squeeze %dma_wait3A_605 : memref<1x16384xf32, #tpu.memory_space<hbm>> -> memref<16384xf32, #tpu.memory_space<hbm>>
          %dma_wait3A_607 = arith.constant 0 : i32
          %dma_wait3A_608 = tpu.memref_slice %dma_wait3A_606[%dma_wait3A_607] : memref<16384xf32, #tpu.memory_space<hbm>> -> memref<1024xf32, #tpu.memory_space<hbm>>
          %dma_wait3A_609 = arith.constant 0 : i32
          %dma_wait3A_610 = tpu.memref_slice %arg4[%dma_wait3A_603, %dma_wait3A_609] : memref<640x16384xf32, #tpu.memory_space<hbm>> -> memref<1x16384xf32, #tpu.memory_space<hbm>>
          %dma_wait3A_611 = tpu.memref_squeeze %dma_wait3A_610 : memref<1x16384xf32, #tpu.memory_space<hbm>> -> memref<16384xf32, #tpu.memory_space<hbm>>
          %dma_wait3A_612 = arith.constant 0 : i32
          %dma_wait3A_613 = tpu.memref_slice %dma_wait3A_611[%dma_wait3A_612] : memref<16384xf32, #tpu.memory_space<hbm>> -> memref<1024xf32, #tpu.memory_space<hbm>>
          tpu.wait_dma2 semaphore(%arg16 : memref<!tpu.dma_semaphore, #tpu.memory_space<semaphore_mem>>) src(%dma_wait3A_613 : memref<1024xf32, #tpu.memory_space<hbm>>) dst(%arg9 : memref<1024xf32, #tpu.memory_space<vmem>>)
        } else {
        }
        %dma_wait3A_79 = arith.constant 0 : i32
        %dma_wait3A_80 = arith.constant 0 : i32
        %dma_wait3A_81 = tpu.memref_slice %arg3[%dma_wait3A_79, %dma_wait3A_80] : memref<10x16384xi32, #tpu.memory_space<hbm>> -> memref<1x16384xi32, #tpu.memory_space<hbm>>
        %dma_wait3A_82 = tpu.memref_squeeze %dma_wait3A_81 : memref<1x16384xi32, #tpu.memory_space<hbm>> -> memref<16384xi32, #tpu.memory_space<hbm>>
        %dma_wait3A_83 = arith.constant 0 : i32
        %dma_wait3A_84 = tpu.memref_slice %dma_wait3A_82[%dma_wait3A_83] : memref<16384xi32, #tpu.memory_space<hbm>> -> memref<1024xi32, #tpu.memory_space<hbm>>
        %dma_wait3A_85 = arith.constant 0 : i32
        %dma_wait3A_86 = tpu.memref_slice %arg3[%dma_wait3A_79, %dma_wait3A_85] : memref<10x16384xi32, #tpu.memory_space<hbm>> -> memref<1x16384xi32, #tpu.memory_space<hbm>>
        %dma_wait3A_87 = tpu.memref_squeeze %dma_wait3A_86 : memref<1x16384xi32, #tpu.memory_space<hbm>> -> memref<16384xi32, #tpu.memory_space<hbm>>
        %dma_wait3A_88 = arith.constant 0 : i32
        %dma_wait3A_89 = tpu.memref_slice %dma_wait3A_87[%dma_wait3A_88] : memref<16384xi32, #tpu.memory_space<hbm>> -> memref<1024xi32, #tpu.memory_space<hbm>>
        tpu.wait_dma2 semaphore(%arg13 : memref<!tpu.dma_semaphore, #tpu.memory_space<semaphore_mem>>) src(%dma_wait3A_89 : memref<1024xi32, #tpu.memory_space<hbm>>) dst(%arg7 : memref<1024xi32, #tpu.memory_space<vmem>>)
        %dma_start3A_90 = arith.constant 0 : i32
        %dma_start3A_91 = tpu.memref_slice %arg6[%dma_start3A_90] : memref<1000000xf32, #tpu.memory_space<vmem_shared>> -> memref<1000000xf32, #tpu.memory_space<vmem_shared>>
        tpu.enqueue_indirect_dma source(%dma_start3A_91 : memref<1000000xf32, #tpu.memory_space<vmem_shared>>) target(%arg9 : memref<1024xf32, #tpu.memory_space<vmem>>) offsets(%arg7 : memref<1024xi32, #tpu.memory_space<vmem>>) semaphore(%arg15 : memref<!tpu.dma_semaphore, #tpu.memory_space<semaphore_mem>>)
        %dma_start3A_92 = arith.constant 1 : i32
        %dma_start3A_93 = arith.constant 0 : i32
        %dma_start3A_94 = tpu.memref_slice %arg3[%dma_start3A_92, %dma_start3A_93] : memref<10x16384xi32, #tpu.memory_space<hbm>> -> memref<1x16384xi32, #tpu.memory_space<hbm>>
        %dma_start3A_95 = tpu.memref_squeeze %dma_start3A_94 : memref<1x16384xi32, #tpu.memory_space<hbm>> -> memref<16384xi32, #tpu.memory_space<hbm>>
        %dma_start3A_96 = tpu.memref_slice %dma_start3A_95[%mul3A_2] : memref<16384xi32, #tpu.memory_space<hbm>> -> memref<1024xi32, #tpu.memory_space<hbm>>
        %dma_start3A_97 = arith.constant 0 : i32
        %dma_start3A_98 = tpu.memref_slice %arg3[%dma_start3A_92, %dma_start3A_97] : memref<10x16384xi32, #tpu.memory_space<hbm>> -> memref<1x16384xi32, #tpu.memory_space<hbm>>
        %dma_start3A_99 = tpu.memref_squeeze %dma_start3A_98 : memref<1x16384xi32, #tpu.memory_space<hbm>> -> memref<16384xi32, #tpu.memory_space<hbm>>
        %dma_start3A_100 = tpu.memref_slice %dma_start3A_99[%mul3A_2] : memref<16384xi32, #tpu.memory_space<hbm>> -> memref<1024xi32, #tpu.memory_space<hbm>>
        tpu.enqueue_dma source(%dma_start3A_100 : memref<1024xi32, #tpu.memory_space<hbm>>) target(%arg8 : memref<1024xi32, #tpu.memory_space<vmem>>) target_semaphore(%arg14 : memref<!tpu.dma_semaphore, #tpu.memory_space<semaphore_mem>>)
        %ge3A_101 = arith.constant 1 : i32
        %ge3A_102 = arith.cmpi sge, %scan3A_50, %ge3A_101 : i32
        %convert_element_type3A_103 = arith.extui %ge3A_102 : i1 to i32
        %cond3A_104 = arith.constant 0 : i32
        %cond3A_105 = arith.cmpi ne, %convert_element_type3A_103, %cond3A_104 : i32
        scf.if %cond3A_105 {
          %dma_wait3A_603 = arith.constant 0 : i32
          %dma_wait3A_604 = arith.constant 0 : i32
          %dma_wait3A_605 = tpu.memref_slice %arg4[%dma_wait3A_603, %dma_wait3A_604] : memref<640x16384xf32, #tpu.memory_space<hbm>> -> memref<1x16384xf32, #tpu.memory_space<hbm>>
          %dma_wait3A_606 = tpu.memref_squeeze %dma_wait3A_605 : memref<1x16384xf32, #tpu.memory_space<hbm>> -> memref<16384xf32, #tpu.memory_space<hbm>>
          %dma_wait3A_607 = arith.constant 0 : i32
          %dma_wait3A_608 = tpu.memref_slice %dma_wait3A_606[%dma_wait3A_607] : memref<16384xf32, #tpu.memory_space<hbm>> -> memref<1024xf32, #tpu.memory_space<hbm>>
          %dma_wait3A_609 = arith.constant 0 : i32
          %dma_wait3A_610 = tpu.memref_slice %arg4[%dma_wait3A_603, %dma_wait3A_609] : memref<640x16384xf32, #tpu.memory_space<hbm>> -> memref<1x16384xf32, #tpu.memory_space<hbm>>
          %dma_wait3A_611 = tpu.memref_squeeze %dma_wait3A_610 : memref<1x16384xf32, #tpu.memory_space<hbm>> -> memref<16384xf32, #tpu.memory_space<hbm>>
          %dma_wait3A_612 = arith.constant 0 : i32
          %dma_wait3A_613 = tpu.memref_slice %dma_wait3A_611[%dma_wait3A_612] : memref<16384xf32, #tpu.memory_space<hbm>> -> memref<1024xf32, #tpu.memory_space<hbm>>
          tpu.wait_dma2 semaphore(%arg17 : memref<!tpu.dma_semaphore, #tpu.memory_space<semaphore_mem>>) src(%dma_wait3A_613 : memref<1024xf32, #tpu.memory_space<hbm>>) dst(%arg10 : memref<1024xf32, #tpu.memory_space<vmem>>)
        } else {
        }
        %dma_wait3A_106 = arith.constant 0 : i32
        %dma_wait3A_107 = arith.constant 0 : i32
        %dma_wait3A_108 = tpu.memref_slice %arg3[%dma_wait3A_106, %dma_wait3A_107] : memref<10x16384xi32, #tpu.memory_space<hbm>> -> memref<1x16384xi32, #tpu.memory_space<hbm>>
        %dma_wait3A_109 = tpu.memref_squeeze %dma_wait3A_108 : memref<1x16384xi32, #tpu.memory_space<hbm>> -> memref<16384xi32, #tpu.memory_space<hbm>>
        %dma_wait3A_110 = arith.constant 0 : i32
        %dma_wait3A_111 = tpu.memref_slice %dma_wait3A_109[%dma_wait3A_110] : memref<16384xi32, #tpu.memory_space<hbm>> -> memref<1024xi32, #tpu.memory_space<hbm>>
        %dma_wait3A_112 = arith.constant 0 : i32
        %dma_wait3A_113 = tpu.memref_slice %arg3[%dma_wait3A_106, %dma_wait3A_112] : memref<10x16384xi32, #tpu.memory_space<hbm>> -> memref<1x16384xi32, #tpu.memory_space<hbm>>
        %dma_wait3A_114 = tpu.memref_squeeze %dma_wait3A_113 : memref<1x16384xi32, #tpu.memory_space<hbm>> -> memref<16384xi32, #tpu.memory_space<hbm>>
        %dma_wait3A_115 = arith.constant 0 : i32
        %dma_wait3A_116 = tpu.memref_slice %dma_wait3A_114[%dma_wait3A_115] : memref<16384xi32, #tpu.memory_space<hbm>> -> memref<1024xi32, #tpu.memory_space<hbm>>
        tpu.wait_dma2 semaphore(%arg14 : memref<!tpu.dma_semaphore, #tpu.memory_space<semaphore_mem>>) src(%dma_wait3A_116 : memref<1024xi32, #tpu.memory_space<hbm>>) dst(%arg8 : memref<1024xi32, #tpu.memory_space<vmem>>)
        %dma_start3A_117 = arith.constant 0 : i32
        %dma_start3A_118 = tpu.memref_slice %arg6[%dma_start3A_117] : memref<1000000xf32, #tpu.memory_space<vmem_shared>> -> memref<1000000xf32, #tpu.memory_space<vmem_shared>>
        tpu.enqueue_indirect_dma source(%dma_start3A_118 : memref<1000000xf32, #tpu.memory_space<vmem_shared>>) target(%arg10 : memref<1024xf32, #tpu.memory_space<vmem>>) offsets(%arg8 : memref<1024xi32, #tpu.memory_space<vmem>>) semaphore(%arg15 : memref<!tpu.dma_semaphore, #tpu.memory_space<semaphore_mem>>)
        %dma_wait3A_119 = arith.constant 0 : i32
        %dma_wait3A_120 = arith.constant 0 : i32
        %dma_wait3A_121 = tpu.memref_slice %arg4[%dma_wait3A_119, %dma_wait3A_120] : memref<640x16384xf32, #tpu.memory_space<hbm>> -> memref<1x16384xf32, #tpu.memory_space<hbm>>
        %dma_wait3A_122 = tpu.memref_squeeze %dma_wait3A_121 : memref<1x16384xf32, #tpu.memory_space<hbm>> -> memref<16384xf32, #tpu.memory_space<hbm>>
        %dma_wait3A_123 = arith.constant 0 : i32
        %dma_wait3A_124 = tpu.memref_slice %dma_wait3A_122[%dma_wait3A_123] : memref<16384xf32, #tpu.memory_space<hbm>> -> memref<1024xf32, #tpu.memory_space<hbm>>
        %dma_wait3A_125 = arith.constant 0 : i32
        %dma_wait3A_126 = tpu.memref_slice %arg4[%dma_wait3A_119, %dma_wait3A_125] : memref<640x16384xf32, #tpu.memory_space<hbm>> -> memref<1x16384xf32, #tpu.memory_space<hbm>>
        %dma_wait3A_127 = tpu.memref_squeeze %dma_wait3A_126 : memref<1x16384xf32, #tpu.memory_space<hbm>> -> memref<16384xf32, #tpu.memory_space<hbm>>
        %dma_wait3A_128 = arith.constant 0 : i32
        %dma_wait3A_129 = tpu.memref_slice %dma_wait3A_127[%dma_wait3A_128] : memref<16384xf32, #tpu.memory_space<hbm>> -> memref<1024xf32, #tpu.memory_space<hbm>>
        tpu.wait_dma2 semaphore(%arg15 : memref<!tpu.dma_semaphore, #tpu.memory_space<semaphore_mem>>) src(%dma_wait3A_129 : memref<1024xf32, #tpu.memory_space<hbm>>) dst(%arg9 : memref<1024xf32, #tpu.memory_space<vmem>>)
        %add3A_130 = arith.constant 0 : i32
        %add3A_131 = arith.addi %add3A_130, %add3A : i32
        %dma_start3A_132 = arith.constant 0 : i32
        %dma_start3A_133 = tpu.memref_slice %arg4[%add3A_131, %dma_start3A_132] : memref<640x16384xf32, #tpu.memory_space<hbm>> -> memref<1x16384xf32, #tpu.memory_space<hbm>>
        %dma_start3A_134 = tpu.memref_squeeze %dma_start3A_133 : memref<1x16384xf32, #tpu.memory_space<hbm>> -> memref<16384xf32, #tpu.memory_space<hbm>>
        %dma_start3A_135 = tpu.memref_slice %dma_start3A_134[%mul3A_2] : memref<16384xf32, #tpu.memory_space<hbm>> -> memref<1024xf32, #tpu.memory_space<hbm>>
        %dma_start3A_136 = arith.constant 0 : i32
        %dma_start3A_137 = tpu.memref_slice %arg4[%add3A_131, %dma_start3A_136] : memref<640x16384xf32, #tpu.memory_space<hbm>> -> memref<1x16384xf32, #tpu.memory_space<hbm>>
        %dma_start3A_138 = tpu.memref_squeeze %dma_start3A_137 : memref<1x16384xf32, #tpu.memory_space<hbm>> -> memref<16384xf32, #tpu.memory_space<hbm>>
        %dma_start3A_139 = tpu.memref_slice %dma_start3A_138[%mul3A_2] : memref<16384xf32, #tpu.memory_space<hbm>> -> memref<1024xf32, #tpu.memory_space<hbm>>
        tpu.enqueue_dma source(%arg9 : memref<1024xf32, #tpu.memory_space<vmem>>) target(%dma_start3A_139 : memref<1024xf32, #tpu.memory_space<hbm>>) target_semaphore(%arg16 : memref<!tpu.dma_semaphore, #tpu.memory_space<semaphore_mem>>)
        %dma_start3A_140 = arith.constant 2 : i32
        %dma_start3A_141 = arith.constant 0 : i32
        %dma_start3A_142 = tpu.memref_slice %arg3[%dma_start3A_140, %dma_start3A_141] : memref<10x16384xi32, #tpu.memory_space<hbm>> -> memref<1x16384xi32, #tpu.memory_space<hbm>>
        %dma_start3A_143 = tpu.memref_squeeze %dma_start3A_142 : memref<1x16384xi32, #tpu.memory_space<hbm>> -> memref<16384xi32, #tpu.memory_space<hbm>>
        %dma_start3A_144 = tpu.memref_slice %dma_start3A_143[%mul3A_2] : memref<16384xi32, #tpu.memory_space<hbm>> -> memref<1024xi32, #tpu.memory_space<hbm>>
        %dma_start3A_145 = arith.constant 0 : i32
        %dma_start3A_146 = tpu.memref_slice %arg3[%dma_start3A_140, %dma_start3A_145] : memref<10x16384xi32, #tpu.memory_space<hbm>> -> memref<1x16384xi32, #tpu.memory_space<hbm>>
        %dma_start3A_147 = tpu.memref_squeeze %dma_start3A_146 : memref<1x16384xi32, #tpu.memory_space<hbm>> -> memref<16384xi32, #tpu.memory_space<hbm>>
        %dma_start3A_148 = tpu.memref_slice %dma_start3A_147[%mul3A_2] : memref<16384xi32, #tpu.memory_space<hbm>> -> memref<1024xi32, #tpu.memory_space<hbm>>
        tpu.enqueue_dma source(%dma_start3A_148 : memref<1024xi32, #tpu.memory_space<hbm>>) target(%arg7 : memref<1024xi32, #tpu.memory_space<vmem>>) target_semaphore(%arg13 : memref<!tpu.dma_semaphore, #tpu.memory_space<semaphore_mem>>)
        %dma_wait3A_149 = arith.constant 0 : i32
        %dma_wait3A_150 = arith.constant 0 : i32
        %dma_wait3A_151 = tpu.memref_slice %arg4[%dma_wait3A_149, %dma_wait3A_150] : memref<640x16384xf32, #tpu.memory_space<hbm>> -> memref<1x16384xf32, #tpu.memory_space<hbm>>
        %dma_wait3A_152 = tpu.memref_squeeze %dma_wait3A_151 : memref<1x16384xf32, #tpu.memory_space<hbm>> -> memref<16384xf32, #tpu.memory_space<hbm>>
        %dma_wait3A_153 = arith.constant 0 : i32
        %dma_wait3A_154 = tpu.memref_slice %dma_wait3A_152[%dma_wait3A_153] : memref<16384xf32, #tpu.memory_space<hbm>> -> memref<1024xf32, #tpu.memory_space<hbm>>
        %dma_wait3A_155 = arith.constant 0 : i32
        %dma_wait3A_156 = tpu.memref_slice %arg4[%dma_wait3A_149, %dma_wait3A_155] : memref<640x16384xf32, #tpu.memory_space<hbm>> -> memref<1x16384xf32, #tpu.memory_space<hbm>>
        %dma_wait3A_157 = tpu.memref_squeeze %dma_wait3A_156 : memref<1x16384xf32, #tpu.memory_space<hbm>> -> memref<16384xf32, #tpu.memory_space<hbm>>
        %dma_wait3A_158 = arith.constant 0 : i32
        %dma_wait3A_159 = tpu.memref_slice %dma_wait3A_157[%dma_wait3A_158] : memref<16384xf32, #tpu.memory_space<hbm>> -> memref<1024xf32, #tpu.memory_space<hbm>>
        tpu.wait_dma2 semaphore(%arg16 : memref<!tpu.dma_semaphore, #tpu.memory_space<semaphore_mem>>) src(%dma_wait3A_159 : memref<1024xf32, #tpu.memory_space<hbm>>) dst(%arg9 : memref<1024xf32, #tpu.memory_space<vmem>>)
        %dma_wait3A_160 = arith.constant 0 : i32
        %dma_wait3A_161 = arith.constant 0 : i32
        %dma_wait3A_162 = tpu.memref_slice %arg3[%dma_wait3A_160, %dma_wait3A_161] : memref<10x16384xi32, #tpu.memory_space<hbm>> -> memref<1x16384xi32, #tpu.memory_space<hbm>>
        %dma_wait3A_163 = tpu.memref_squeeze %dma_wait3A_162 : memref<1x16384xi32, #tpu.memory_space<hbm>> -> memref<16384xi32, #tpu.memory_space<hbm>>
        %dma_wait3A_164 = arith.constant 0 : i32
        %dma_wait3A_165 = tpu.memref_slice %dma_wait3A_163[%dma_wait3A_164] : memref<16384xi32, #tpu.memory_space<hbm>> -> memref<1024xi32, #tpu.memory_space<hbm>>
        %dma_wait3A_166 = arith.constant 0 : i32
        %dma_wait3A_167 = tpu.memref_slice %arg3[%dma_wait3A_160, %dma_wait3A_166] : memref<10x16384xi32, #tpu.memory_space<hbm>> -> memref<1x16384xi32, #tpu.memory_space<hbm>>
        %dma_wait3A_168 = tpu.memref_squeeze %dma_wait3A_167 : memref<1x16384xi32, #tpu.memory_space<hbm>> -> memref<16384xi32, #tpu.memory_space<hbm>>
        %dma_wait3A_169 = arith.constant 0 : i32
        %dma_wait3A_170 = tpu.memref_slice %dma_wait3A_168[%dma_wait3A_169] : memref<16384xi32, #tpu.memory_space<hbm>> -> memref<1024xi32, #tpu.memory_space<hbm>>
        tpu.wait_dma2 semaphore(%arg13 : memref<!tpu.dma_semaphore, #tpu.memory_space<semaphore_mem>>) src(%dma_wait3A_170 : memref<1024xi32, #tpu.memory_space<hbm>>) dst(%arg7 : memref<1024xi32, #tpu.memory_space<vmem>>)
        %dma_start3A_171 = arith.constant 0 : i32
        %dma_start3A_172 = tpu.memref_slice %arg6[%dma_start3A_171] : memref<1000000xf32, #tpu.memory_space<vmem_shared>> -> memref<1000000xf32, #tpu.memory_space<vmem_shared>>
        tpu.enqueue_indirect_dma source(%dma_start3A_172 : memref<1000000xf32, #tpu.memory_space<vmem_shared>>) target(%arg9 : memref<1024xf32, #tpu.memory_space<vmem>>) offsets(%arg7 : memref<1024xi32, #tpu.memory_space<vmem>>) semaphore(%arg15 : memref<!tpu.dma_semaphore, #tpu.memory_space<semaphore_mem>>)
        %dma_wait3A_173 = arith.constant 0 : i32
        %dma_wait3A_174 = arith.constant 0 : i32
        %dma_wait3A_175 = tpu.memref_slice %arg4[%dma_wait3A_173, %dma_wait3A_174] : memref<640x16384xf32, #tpu.memory_space<hbm>> -> memref<1x16384xf32, #tpu.memory_space<hbm>>
        %dma_wait3A_176 = tpu.memref_squeeze %dma_wait3A_175 : memref<1x16384xf32, #tpu.memory_space<hbm>> -> memref<16384xf32, #tpu.memory_space<hbm>>
        %dma_wait3A_177 = arith.constant 0 : i32
        %dma_wait3A_178 = tpu.memref_slice %dma_wait3A_176[%dma_wait3A_177] : memref<16384xf32, #tpu.memory_space<hbm>> -> memref<1024xf32, #tpu.memory_space<hbm>>
        %dma_wait3A_179 = arith.constant 0 : i32
        %dma_wait3A_180 = tpu.memref_slice %arg4[%dma_wait3A_173, %dma_wait3A_179] : memref<640x16384xf32, #tpu.memory_space<hbm>> -> memref<1x16384xf32, #tpu.memory_space<hbm>>
        %dma_wait3A_181 = tpu.memref_squeeze %dma_wait3A_180 : memref<1x16384xf32, #tpu.memory_space<hbm>> -> memref<16384xf32, #tpu.memory_space<hbm>>
        %dma_wait3A_182 = arith.constant 0 : i32
        %dma_wait3A_183 = tpu.memref_slice %dma_wait3A_181[%dma_wait3A_182] : memref<16384xf32, #tpu.memory_space<hbm>> -> memref<1024xf32, #tpu.memory_space<hbm>>
        tpu.wait_dma2 semaphore(%arg15 : memref<!tpu.dma_semaphore, #tpu.memory_space<semaphore_mem>>) src(%dma_wait3A_183 : memref<1024xf32, #tpu.memory_space<hbm>>) dst(%arg10 : memref<1024xf32, #tpu.memory_space<vmem>>)
        %add3A_184 = arith.constant 64 : i32
        %add3A_185 = arith.addi %add3A_184, %add3A : i32
        %dma_start3A_186 = arith.constant 0 : i32
        %dma_start3A_187 = tpu.memref_slice %arg4[%add3A_185, %dma_start3A_186] : memref<640x16384xf32, #tpu.memory_space<hbm>> -> memref<1x16384xf32, #tpu.memory_space<hbm>>
        %dma_start3A_188 = tpu.memref_squeeze %dma_start3A_187 : memref<1x16384xf32, #tpu.memory_space<hbm>> -> memref<16384xf32, #tpu.memory_space<hbm>>
        %dma_start3A_189 = tpu.memref_slice %dma_start3A_188[%mul3A_2] : memref<16384xf32, #tpu.memory_space<hbm>> -> memref<1024xf32, #tpu.memory_space<hbm>>
        %dma_start3A_190 = arith.constant 0 : i32
        %dma_start3A_191 = tpu.memref_slice %arg4[%add3A_185, %dma_start3A_190] : memref<640x16384xf32, #tpu.memory_space<hbm>> -> memref<1x16384xf32, #tpu.memory_space<hbm>>
        %dma_start3A_192 = tpu.memref_squeeze %dma_start3A_191 : memref<1x16384xf32, #tpu.memory_space<hbm>> -> memref<16384xf32, #tpu.memory_space<hbm>>
        %dma_start3A_193 = tpu.memref_slice %dma_start3A_192[%mul3A_2] : memref<16384xf32, #tpu.memory_space<hbm>> -> memref<1024xf32, #tpu.memory_space<hbm>>
        tpu.enqueue_dma source(%arg10 : memref<1024xf32, #tpu.memory_space<vmem>>) target(%dma_start3A_193 : memref<1024xf32, #tpu.memory_space<hbm>>) target_semaphore(%arg17 : memref<!tpu.dma_semaphore, #tpu.memory_space<semaphore_mem>>)
        %dma_start3A_194 = arith.constant 3 : i32
        %dma_start3A_195 = arith.constant 0 : i32
        %dma_start3A_196 = tpu.memref_slice %arg3[%dma_start3A_194, %dma_start3A_195] : memref<10x16384xi32, #tpu.memory_space<hbm>> -> memref<1x16384xi32, #tpu.memory_space<hbm>>
        %dma_start3A_197 = tpu.memref_squeeze %dma_start3A_196 : memref<1x16384xi32, #tpu.memory_space<hbm>> -> memref<16384xi32, #tpu.memory_space<hbm>>
        %dma_start3A_198 = tpu.memref_slice %dma_start3A_197[%mul3A_2] : memref<16384xi32, #tpu.memory_space<hbm>> -> memref<1024xi32, #tpu.memory_space<hbm>>
        %dma_start3A_199 = arith.constant 0 : i32
        %dma_start3A_200 = tpu.memref_slice %arg3[%dma_start3A_194, %dma_start3A_199] : memref<10x16384xi32, #tpu.memory_space<hbm>> -> memref<1x16384xi32, #tpu.memory_space<hbm>>
        %dma_start3A_201 = tpu.memref_squeeze %dma_start3A_200 : memref<1x16384xi32, #tpu.memory_space<hbm>> -> memref<16384xi32, #tpu.memory_space<hbm>>
        %dma_start3A_202 = tpu.memref_slice %dma_start3A_201[%mul3A_2] : memref<16384xi32, #tpu.memory_space<hbm>> -> memref<1024xi32, #tpu.memory_space<hbm>>
        tpu.enqueue_dma source(%dma_start3A_202 : memref<1024xi32, #tpu.memory_space<hbm>>) target(%arg8 : memref<1024xi32, #tpu.memory_space<vmem>>) target_semaphore(%arg14 : memref<!tpu.dma_semaphore, #tpu.memory_space<semaphore_mem>>)
        %dma_wait3A_203 = arith.constant 0 : i32
        %dma_wait3A_204 = arith.constant 0 : i32
        %dma_wait3A_205 = tpu.memref_slice %arg4[%dma_wait3A_203, %dma_wait3A_204] : memref<640x16384xf32, #tpu.memory_space<hbm>> -> memref<1x16384xf32, #tpu.memory_space<hbm>>
        %dma_wait3A_206 = tpu.memref_squeeze %dma_wait3A_205 : memref<1x16384xf32, #tpu.memory_space<hbm>> -> memref<16384xf32, #tpu.memory_space<hbm>>
        %dma_wait3A_207 = arith.constant 0 : i32
        %dma_wait3A_208 = tpu.memref_slice %dma_wait3A_206[%dma_wait3A_207] : memref<16384xf32, #tpu.memory_space<hbm>> -> memref<1024xf32, #tpu.memory_space<hbm>>
        %dma_wait3A_209 = arith.constant 0 : i32
        %dma_wait3A_210 = tpu.memref_slice %arg4[%dma_wait3A_203, %dma_wait3A_209] : memref<640x16384xf32, #tpu.memory_space<hbm>> -> memref<1x16384xf32, #tpu.memory_space<hbm>>
        %dma_wait3A_211 = tpu.memref_squeeze %dma_wait3A_210 : memref<1x16384xf32, #tpu.memory_space<hbm>> -> memref<16384xf32, #tpu.memory_space<hbm>>
        %dma_wait3A_212 = arith.constant 0 : i32
        %dma_wait3A_213 = tpu.memref_slice %dma_wait3A_211[%dma_wait3A_212] : memref<16384xf32, #tpu.memory_space<hbm>> -> memref<1024xf32, #tpu.memory_space<hbm>>
        tpu.wait_dma2 semaphore(%arg17 : memref<!tpu.dma_semaphore, #tpu.memory_space<semaphore_mem>>) src(%dma_wait3A_213 : memref<1024xf32, #tpu.memory_space<hbm>>) dst(%arg10 : memref<1024xf32, #tpu.memory_space<vmem>>)
        %dma_wait3A_214 = arith.constant 0 : i32
        %dma_wait3A_215 = arith.constant 0 : i32
        %dma_wait3A_216 = tpu.memref_slice %arg3[%dma_wait3A_214, %dma_wait3A_215] : memref<10x16384xi32, #tpu.memory_space<hbm>> -> memref<1x16384xi32, #tpu.memory_space<hbm>>
        %dma_wait3A_217 = tpu.memref_squeeze %dma_wait3A_216 : memref<1x16384xi32, #tpu.memory_space<hbm>> -> memref<16384xi32, #tpu.memory_space<hbm>>
        %dma_wait3A_218 = arith.constant 0 : i32
        %dma_wait3A_219 = tpu.memref_slice %dma_wait3A_217[%dma_wait3A_218] : memref<16384xi32, #tpu.memory_space<hbm>> -> memref<1024xi32, #tpu.memory_space<hbm>>
        %dma_wait3A_220 = arith.constant 0 : i32
        %dma_wait3A_221 = tpu.memref_slice %arg3[%dma_wait3A_214, %dma_wait3A_220] : memref<10x16384xi32, #tpu.memory_space<hbm>> -> memref<1x16384xi32, #tpu.memory_space<hbm>>
        %dma_wait3A_222 = tpu.memref_squeeze %dma_wait3A_221 : memref<1x16384xi32, #tpu.memory_space<hbm>> -> memref<16384xi32, #tpu.memory_space<hbm>>
        %dma_wait3A_223 = arith.constant 0 : i32
        %dma_wait3A_224 = tpu.memref_slice %dma_wait3A_222[%dma_wait3A_223] : memref<16384xi32, #tpu.memory_space<hbm>> -> memref<1024xi32, #tpu.memory_space<hbm>>
        tpu.wait_dma2 semaphore(%arg14 : memref<!tpu.dma_semaphore, #tpu.memory_space<semaphore_mem>>) src(%dma_wait3A_224 : memref<1024xi32, #tpu.memory_space<hbm>>) dst(%arg8 : memref<1024xi32, #tpu.memory_space<vmem>>)
        %dma_start3A_225 = arith.constant 0 : i32
        %dma_start3A_226 = tpu.memref_slice %arg6[%dma_start3A_225] : memref<1000000xf32, #tpu.memory_space<vmem_shared>> -> memref<1000000xf32, #tpu.memory_space<vmem_shared>>
        tpu.enqueue_indirect_dma source(%dma_start3A_226 : memref<1000000xf32, #tpu.memory_space<vmem_shared>>) target(%arg10 : memref<1024xf32, #tpu.memory_space<vmem>>) offsets(%arg8 : memref<1024xi32, #tpu.memory_space<vmem>>) semaphore(%arg15 : memref<!tpu.dma_semaphore, #tpu.memory_space<semaphore_mem>>)
        %dma_wait3A_227 = arith.constant 0 : i32
        %dma_wait3A_228 = arith.constant 0 : i32
        %dma_wait3A_229 = tpu.memref_slice %arg4[%dma_wait3A_227, %dma_wait3A_228] : memref<640x16384xf32, #tpu.memory_space<hbm>> -> memref<1x16384xf32, #tpu.memory_space<hbm>>
        %dma_wait3A_230 = tpu.memref_squeeze %dma_wait3A_229 : memref<1x16384xf32, #tpu.memory_space<hbm>> -> memref<16384xf32, #tpu.memory_space<hbm>>
        %dma_wait3A_231 = arith.constant 0 : i32
        %dma_wait3A_232 = tpu.memref_slice %dma_wait3A_230[%dma_wait3A_231] : memref<16384xf32, #tpu.memory_space<hbm>> -> memref<1024xf32, #tpu.memory_space<hbm>>
        %dma_wait3A_233 = arith.constant 0 : i32
        %dma_wait3A_234 = tpu.memref_slice %arg4[%dma_wait3A_227, %dma_wait3A_233] : memref<640x16384xf32, #tpu.memory_space<hbm>> -> memref<1x16384xf32, #tpu.memory_space<hbm>>
        %dma_wait3A_235 = tpu.memref_squeeze %dma_wait3A_234 : memref<1x16384xf32, #tpu.memory_space<hbm>> -> memref<16384xf32, #tpu.memory_space<hbm>>
        %dma_wait3A_236 = arith.constant 0 : i32
        %dma_wait3A_237 = tpu.memref_slice %dma_wait3A_235[%dma_wait3A_236] : memref<16384xf32, #tpu.memory_space<hbm>> -> memref<1024xf32, #tpu.memory_space<hbm>>
        tpu.wait_dma2 semaphore(%arg15 : memref<!tpu.dma_semaphore, #tpu.memory_space<semaphore_mem>>) src(%dma_wait3A_237 : memref<1024xf32, #tpu.memory_space<hbm>>) dst(%arg9 : memref<1024xf32, #tpu.memory_space<vmem>>)
        %add3A_238 = arith.constant 128 : i32
        %add3A_239 = arith.addi %add3A_238, %add3A : i32
        %dma_start3A_240 = arith.constant 0 : i32
        %dma_start3A_241 = tpu.memref_slice %arg4[%add3A_239, %dma_start3A_240] : memref<640x16384xf32, #tpu.memory_space<hbm>> -> memref<1x16384xf32, #tpu.memory_space<hbm>>
        %dma_start3A_242 = tpu.memref_squeeze %dma_start3A_241 : memref<1x16384xf32, #tpu.memory_space<hbm>> -> memref<16384xf32, #tpu.memory_space<hbm>>
        %dma_start3A_243 = tpu.memref_slice %dma_start3A_242[%mul3A_2] : memref<16384xf32, #tpu.memory_space<hbm>> -> memref<1024xf32, #tpu.memory_space<hbm>>
        %dma_start3A_244 = arith.constant 0 : i32
        %dma_start3A_245 = tpu.memref_slice %arg4[%add3A_239, %dma_start3A_244] : memref<640x16384xf32, #tpu.memory_space<hbm>> -> memref<1x16384xf32, #tpu.memory_space<hbm>>
        %dma_start3A_246 = tpu.memref_squeeze %dma_start3A_245 : memref<1x16384xf32, #tpu.memory_space<hbm>> -> memref<16384xf32, #tpu.memory_space<hbm>>
        %dma_start3A_247 = tpu.memref_slice %dma_start3A_246[%mul3A_2] : memref<16384xf32, #tpu.memory_space<hbm>> -> memref<1024xf32, #tpu.memory_space<hbm>>
        tpu.enqueue_dma source(%arg9 : memref<1024xf32, #tpu.memory_space<vmem>>) target(%dma_start3A_247 : memref<1024xf32, #tpu.memory_space<hbm>>) target_semaphore(%arg16 : memref<!tpu.dma_semaphore, #tpu.memory_space<semaphore_mem>>)
        %dma_start3A_248 = arith.constant 4 : i32
        %dma_start3A_249 = arith.constant 0 : i32
        %dma_start3A_250 = tpu.memref_slice %arg3[%dma_start3A_248, %dma_start3A_249] : memref<10x16384xi32, #tpu.memory_space<hbm>> -> memref<1x16384xi32, #tpu.memory_space<hbm>>
        %dma_start3A_251 = tpu.memref_squeeze %dma_start3A_250 : memref<1x16384xi32, #tpu.memory_space<hbm>> -> memref<16384xi32, #tpu.memory_space<hbm>>
        %dma_start3A_252 = tpu.memref_slice %dma_start3A_251[%mul3A_2] : memref<16384xi32, #tpu.memory_space<hbm>> -> memref<1024xi32, #tpu.memory_space<hbm>>
        %dma_start3A_253 = arith.constant 0 : i32
        %dma_start3A_254 = tpu.memref_slice %arg3[%dma_start3A_248, %dma_start3A_253] : memref<10x16384xi32, #tpu.memory_space<hbm>> -> memref<1x16384xi32, #tpu.memory_space<hbm>>
        %dma_start3A_255 = tpu.memref_squeeze %dma_start3A_254 : memref<1x16384xi32, #tpu.memory_space<hbm>> -> memref<16384xi32, #tpu.memory_space<hbm>>
        %dma_start3A_256 = tpu.memref_slice %dma_start3A_255[%mul3A_2] : memref<16384xi32, #tpu.memory_space<hbm>> -> memref<1024xi32, #tpu.memory_space<hbm>>
        tpu.enqueue_dma source(%dma_start3A_256 : memref<1024xi32, #tpu.memory_space<hbm>>) target(%arg7 : memref<1024xi32, #tpu.memory_space<vmem>>) target_semaphore(%arg13 : memref<!tpu.dma_semaphore, #tpu.memory_space<semaphore_mem>>)
        %dma_wait3A_257 = arith.constant 0 : i32
        %dma_wait3A_258 = arith.constant 0 : i32
        %dma_wait3A_259 = tpu.memref_slice %arg4[%dma_wait3A_257, %dma_wait3A_258] : memref<640x16384xf32, #tpu.memory_space<hbm>> -> memref<1x16384xf32, #tpu.memory_space<hbm>>
        %dma_wait3A_260 = tpu.memref_squeeze %dma_wait3A_259 : memref<1x16384xf32, #tpu.memory_space<hbm>> -> memref<16384xf32, #tpu.memory_space<hbm>>
        %dma_wait3A_261 = arith.constant 0 : i32
        %dma_wait3A_262 = tpu.memref_slice %dma_wait3A_260[%dma_wait3A_261] : memref<16384xf32, #tpu.memory_space<hbm>> -> memref<1024xf32, #tpu.memory_space<hbm>>
        %dma_wait3A_263 = arith.constant 0 : i32
        %dma_wait3A_264 = tpu.memref_slice %arg4[%dma_wait3A_257, %dma_wait3A_263] : memref<640x16384xf32, #tpu.memory_space<hbm>> -> memref<1x16384xf32, #tpu.memory_space<hbm>>
        %dma_wait3A_265 = tpu.memref_squeeze %dma_wait3A_264 : memref<1x16384xf32, #tpu.memory_space<hbm>> -> memref<16384xf32, #tpu.memory_space<hbm>>
        %dma_wait3A_266 = arith.constant 0 : i32
        %dma_wait3A_267 = tpu.memref_slice %dma_wait3A_265[%dma_wait3A_266] : memref<16384xf32, #tpu.memory_space<hbm>> -> memref<1024xf32, #tpu.memory_space<hbm>>
        tpu.wait_dma2 semaphore(%arg16 : memref<!tpu.dma_semaphore, #tpu.memory_space<semaphore_mem>>) src(%dma_wait3A_267 : memref<1024xf32, #tpu.memory_space<hbm>>) dst(%arg9 : memref<1024xf32, #tpu.memory_space<vmem>>)
        %dma_wait3A_268 = arith.constant 0 : i32
        %dma_wait3A_269 = arith.constant 0 : i32
        %dma_wait3A_270 = tpu.memref_slice %arg3[%dma_wait3A_268, %dma_wait3A_269] : memref<10x16384xi32, #tpu.memory_space<hbm>> -> memref<1x16384xi32, #tpu.memory_space<hbm>>
        %dma_wait3A_271 = tpu.memref_squeeze %dma_wait3A_270 : memref<1x16384xi32, #tpu.memory_space<hbm>> -> memref<16384xi32, #tpu.memory_space<hbm>>
        %dma_wait3A_272 = arith.constant 0 : i32
        %dma_wait3A_273 = tpu.memref_slice %dma_wait3A_271[%dma_wait3A_272] : memref<16384xi32, #tpu.memory_space<hbm>> -> memref<1024xi32, #tpu.memory_space<hbm>>
        %dma_wait3A_274 = arith.constant 0 : i32
        %dma_wait3A_275 = tpu.memref_slice %arg3[%dma_wait3A_268, %dma_wait3A_274] : memref<10x16384xi32, #tpu.memory_space<hbm>> -> memref<1x16384xi32, #tpu.memory_space<hbm>>
        %dma_wait3A_276 = tpu.memref_squeeze %dma_wait3A_275 : memref<1x16384xi32, #tpu.memory_space<hbm>> -> memref<16384xi32, #tpu.memory_space<hbm>>
        %dma_wait3A_277 = arith.constant 0 : i32
        %dma_wait3A_278 = tpu.memref_slice %dma_wait3A_276[%dma_wait3A_277] : memref<16384xi32, #tpu.memory_space<hbm>> -> memref<1024xi32, #tpu.memory_space<hbm>>
        tpu.wait_dma2 semaphore(%arg13 : memref<!tpu.dma_semaphore, #tpu.memory_space<semaphore_mem>>) src(%dma_wait3A_278 : memref<1024xi32, #tpu.memory_space<hbm>>) dst(%arg7 : memref<1024xi32, #tpu.memory_space<vmem>>)
        %dma_start3A_279 = arith.constant 0 : i32
        %dma_start3A_280 = tpu.memref_slice %arg6[%dma_start3A_279] : memref<1000000xf32, #tpu.memory_space<vmem_shared>> -> memref<1000000xf32, #tpu.memory_space<vmem_shared>>
        tpu.enqueue_indirect_dma source(%dma_start3A_280 : memref<1000000xf32, #tpu.memory_space<vmem_shared>>) target(%arg9 : memref<1024xf32, #tpu.memory_space<vmem>>) offsets(%arg7 : memref<1024xi32, #tpu.memory_space<vmem>>) semaphore(%arg15 : memref<!tpu.dma_semaphore, #tpu.memory_space<semaphore_mem>>)
        %dma_wait3A_281 = arith.constant 0 : i32
        %dma_wait3A_282 = arith.constant 0 : i32
        %dma_wait3A_283 = tpu.memref_slice %arg4[%dma_wait3A_281, %dma_wait3A_282] : memref<640x16384xf32, #tpu.memory_space<hbm>> -> memref<1x16384xf32, #tpu.memory_space<hbm>>
        %dma_wait3A_284 = tpu.memref_squeeze %dma_wait3A_283 : memref<1x16384xf32, #tpu.memory_space<hbm>> -> memref<16384xf32, #tpu.memory_space<hbm>>
        %dma_wait3A_285 = arith.constant 0 : i32
        %dma_wait3A_286 = tpu.memref_slice %dma_wait3A_284[%dma_wait3A_285] : memref<16384xf32, #tpu.memory_space<hbm>> -> memref<1024xf32, #tpu.memory_space<hbm>>
        %dma_wait3A_287 = arith.constant 0 : i32
        %dma_wait3A_288 = tpu.memref_slice %arg4[%dma_wait3A_281, %dma_wait3A_287] : memref<640x16384xf32, #tpu.memory_space<hbm>> -> memref<1x16384xf32, #tpu.memory_space<hbm>>
        %dma_wait3A_289 = tpu.memref_squeeze %dma_wait3A_288 : memref<1x16384xf32, #tpu.memory_space<hbm>> -> memref<16384xf32, #tpu.memory_space<hbm>>
        %dma_wait3A_290 = arith.constant 0 : i32
        %dma_wait3A_291 = tpu.memref_slice %dma_wait3A_289[%dma_wait3A_290] : memref<16384xf32, #tpu.memory_space<hbm>> -> memref<1024xf32, #tpu.memory_space<hbm>>
        tpu.wait_dma2 semaphore(%arg15 : memref<!tpu.dma_semaphore, #tpu.memory_space<semaphore_mem>>) src(%dma_wait3A_291 : memref<1024xf32, #tpu.memory_space<hbm>>) dst(%arg10 : memref<1024xf32, #tpu.memory_space<vmem>>)
        %add3A_292 = arith.constant 192 : i32
        %add3A_293 = arith.addi %add3A_292, %add3A : i32
        %dma_start3A_294 = arith.constant 0 : i32
        %dma_start3A_295 = tpu.memref_slice %arg4[%add3A_293, %dma_start3A_294] : memref<640x16384xf32, #tpu.memory_space<hbm>> -> memref<1x16384xf32, #tpu.memory_space<hbm>>
        %dma_start3A_296 = tpu.memref_squeeze %dma_start3A_295 : memref<1x16384xf32, #tpu.memory_space<hbm>> -> memref<16384xf32, #tpu.memory_space<hbm>>
        %dma_start3A_297 = tpu.memref_slice %dma_start3A_296[%mul3A_2] : memref<16384xf32, #tpu.memory_space<hbm>> -> memref<1024xf32, #tpu.memory_space<hbm>>
        %dma_start3A_298 = arith.constant 0 : i32
        %dma_start3A_299 = tpu.memref_slice %arg4[%add3A_293, %dma_start3A_298] : memref<640x16384xf32, #tpu.memory_space<hbm>> -> memref<1x16384xf32, #tpu.memory_space<hbm>>
        %dma_start3A_300 = tpu.memref_squeeze %dma_start3A_299 : memref<1x16384xf32, #tpu.memory_space<hbm>> -> memref<16384xf32, #tpu.memory_space<hbm>>
        %dma_start3A_301 = tpu.memref_slice %dma_start3A_300[%mul3A_2] : memref<16384xf32, #tpu.memory_space<hbm>> -> memref<1024xf32, #tpu.memory_space<hbm>>
        tpu.enqueue_dma source(%arg10 : memref<1024xf32, #tpu.memory_space<vmem>>) target(%dma_start3A_301 : memref<1024xf32, #tpu.memory_space<hbm>>) target_semaphore(%arg17 : memref<!tpu.dma_semaphore, #tpu.memory_space<semaphore_mem>>)
        %dma_start3A_302 = arith.constant 5 : i32
        %dma_start3A_303 = arith.constant 0 : i32
        %dma_start3A_304 = tpu.memref_slice %arg3[%dma_start3A_302, %dma_start3A_303] : memref<10x16384xi32, #tpu.memory_space<hbm>> -> memref<1x16384xi32, #tpu.memory_space<hbm>>
        %dma_start3A_305 = tpu.memref_squeeze %dma_start3A_304 : memref<1x16384xi32, #tpu.memory_space<hbm>> -> memref<16384xi32, #tpu.memory_space<hbm>>
        %dma_start3A_306 = tpu.memref_slice %dma_start3A_305[%mul3A_2] : memref<16384xi32, #tpu.memory_space<hbm>> -> memref<1024xi32, #tpu.memory_space<hbm>>
        %dma_start3A_307 = arith.constant 0 : i32
        %dma_start3A_308 = tpu.memref_slice %arg3[%dma_start3A_302, %dma_start3A_307] : memref<10x16384xi32, #tpu.memory_space<hbm>> -> memref<1x16384xi32, #tpu.memory_space<hbm>>
        %dma_start3A_309 = tpu.memref_squeeze %dma_start3A_308 : memref<1x16384xi32, #tpu.memory_space<hbm>> -> memref<16384xi32, #tpu.memory_space<hbm>>
        %dma_start3A_310 = tpu.memref_slice %dma_start3A_309[%mul3A_2] : memref<16384xi32, #tpu.memory_space<hbm>> -> memref<1024xi32, #tpu.memory_space<hbm>>
        tpu.enqueue_dma source(%dma_start3A_310 : memref<1024xi32, #tpu.memory_space<hbm>>) target(%arg8 : memref<1024xi32, #tpu.memory_space<vmem>>) target_semaphore(%arg14 : memref<!tpu.dma_semaphore, #tpu.memory_space<semaphore_mem>>)
        %dma_wait3A_311 = arith.constant 0 : i32
        %dma_wait3A_312 = arith.constant 0 : i32
        %dma_wait3A_313 = tpu.memref_slice %arg4[%dma_wait3A_311, %dma_wait3A_312] : memref<640x16384xf32, #tpu.memory_space<hbm>> -> memref<1x16384xf32, #tpu.memory_space<hbm>>
        %dma_wait3A_314 = tpu.memref_squeeze %dma_wait3A_313 : memref<1x16384xf32, #tpu.memory_space<hbm>> -> memref<16384xf32, #tpu.memory_space<hbm>>
        %dma_wait3A_315 = arith.constant 0 : i32
        %dma_wait3A_316 = tpu.memref_slice %dma_wait3A_314[%dma_wait3A_315] : memref<16384xf32, #tpu.memory_space<hbm>> -> memref<1024xf32, #tpu.memory_space<hbm>>
        %dma_wait3A_317 = arith.constant 0 : i32
        %dma_wait3A_318 = tpu.memref_slice %arg4[%dma_wait3A_311, %dma_wait3A_317] : memref<640x16384xf32, #tpu.memory_space<hbm>> -> memref<1x16384xf32, #tpu.memory_space<hbm>>
        %dma_wait3A_319 = tpu.memref_squeeze %dma_wait3A_318 : memref<1x16384xf32, #tpu.memory_space<hbm>> -> memref<16384xf32, #tpu.memory_space<hbm>>
        %dma_wait3A_320 = arith.constant 0 : i32
        %dma_wait3A_321 = tpu.memref_slice %dma_wait3A_319[%dma_wait3A_320] : memref<16384xf32, #tpu.memory_space<hbm>> -> memref<1024xf32, #tpu.memory_space<hbm>>
        tpu.wait_dma2 semaphore(%arg17 : memref<!tpu.dma_semaphore, #tpu.memory_space<semaphore_mem>>) src(%dma_wait3A_321 : memref<1024xf32, #tpu.memory_space<hbm>>) dst(%arg10 : memref<1024xf32, #tpu.memory_space<vmem>>)
        %dma_wait3A_322 = arith.constant 0 : i32
        %dma_wait3A_323 = arith.constant 0 : i32
        %dma_wait3A_324 = tpu.memref_slice %arg3[%dma_wait3A_322, %dma_wait3A_323] : memref<10x16384xi32, #tpu.memory_space<hbm>> -> memref<1x16384xi32, #tpu.memory_space<hbm>>
        %dma_wait3A_325 = tpu.memref_squeeze %dma_wait3A_324 : memref<1x16384xi32, #tpu.memory_space<hbm>> -> memref<16384xi32, #tpu.memory_space<hbm>>
        %dma_wait3A_326 = arith.constant 0 : i32
        %dma_wait3A_327 = tpu.memref_slice %dma_wait3A_325[%dma_wait3A_326] : memref<16384xi32, #tpu.memory_space<hbm>> -> memref<1024xi32, #tpu.memory_space<hbm>>
        %dma_wait3A_328 = arith.constant 0 : i32
        %dma_wait3A_329 = tpu.memref_slice %arg3[%dma_wait3A_322, %dma_wait3A_328] : memref<10x16384xi32, #tpu.memory_space<hbm>> -> memref<1x16384xi32, #tpu.memory_space<hbm>>
        %dma_wait3A_330 = tpu.memref_squeeze %dma_wait3A_329 : memref<1x16384xi32, #tpu.memory_space<hbm>> -> memref<16384xi32, #tpu.memory_space<hbm>>
        %dma_wait3A_331 = arith.constant 0 : i32
        %dma_wait3A_332 = tpu.memref_slice %dma_wait3A_330[%dma_wait3A_331] : memref<16384xi32, #tpu.memory_space<hbm>> -> memref<1024xi32, #tpu.memory_space<hbm>>
        tpu.wait_dma2 semaphore(%arg14 : memref<!tpu.dma_semaphore, #tpu.memory_space<semaphore_mem>>) src(%dma_wait3A_332 : memref<1024xi32, #tpu.memory_space<hbm>>) dst(%arg8 : memref<1024xi32, #tpu.memory_space<vmem>>)
        %dma_start3A_333 = arith.constant 0 : i32
        %dma_start3A_334 = tpu.memref_slice %arg6[%dma_start3A_333] : memref<1000000xf32, #tpu.memory_space<vmem_shared>> -> memref<1000000xf32, #tpu.memory_space<vmem_shared>>
        tpu.enqueue_indirect_dma source(%dma_start3A_334 : memref<1000000xf32, #tpu.memory_space<vmem_shared>>) target(%arg10 : memref<1024xf32, #tpu.memory_space<vmem>>) offsets(%arg8 : memref<1024xi32, #tpu.memory_space<vmem>>) semaphore(%arg15 : memref<!tpu.dma_semaphore, #tpu.memory_space<semaphore_mem>>)
        %dma_wait3A_335 = arith.constant 0 : i32
        %dma_wait3A_336 = arith.constant 0 : i32
        %dma_wait3A_337 = tpu.memref_slice %arg4[%dma_wait3A_335, %dma_wait3A_336] : memref<640x16384xf32, #tpu.memory_space<hbm>> -> memref<1x16384xf32, #tpu.memory_space<hbm>>
        %dma_wait3A_338 = tpu.memref_squeeze %dma_wait3A_337 : memref<1x16384xf32, #tpu.memory_space<hbm>> -> memref<16384xf32, #tpu.memory_space<hbm>>
        %dma_wait3A_339 = arith.constant 0 : i32
        %dma_wait3A_340 = tpu.memref_slice %dma_wait3A_338[%dma_wait3A_339] : memref<16384xf32, #tpu.memory_space<hbm>> -> memref<1024xf32, #tpu.memory_space<hbm>>
        %dma_wait3A_341 = arith.constant 0 : i32
        %dma_wait3A_342 = tpu.memref_slice %arg4[%dma_wait3A_335, %dma_wait3A_341] : memref<640x16384xf32, #tpu.memory_space<hbm>> -> memref<1x16384xf32, #tpu.memory_space<hbm>>
        %dma_wait3A_343 = tpu.memref_squeeze %dma_wait3A_342 : memref<1x16384xf32, #tpu.memory_space<hbm>> -> memref<16384xf32, #tpu.memory_space<hbm>>
        %dma_wait3A_344 = arith.constant 0 : i32
        %dma_wait3A_345 = tpu.memref_slice %dma_wait3A_343[%dma_wait3A_344] : memref<16384xf32, #tpu.memory_space<hbm>> -> memref<1024xf32, #tpu.memory_space<hbm>>
        tpu.wait_dma2 semaphore(%arg15 : memref<!tpu.dma_semaphore, #tpu.memory_space<semaphore_mem>>) src(%dma_wait3A_345 : memref<1024xf32, #tpu.memory_space<hbm>>) dst(%arg9 : memref<1024xf32, #tpu.memory_space<vmem>>)
        %add3A_346 = arith.constant 256 : i32
        %add3A_347 = arith.addi %add3A_346, %add3A : i32
        %dma_start3A_348 = arith.constant 0 : i32
        %dma_start3A_349 = tpu.memref_slice %arg4[%add3A_347, %dma_start3A_348] : memref<640x16384xf32, #tpu.memory_space<hbm>> -> memref<1x16384xf32, #tpu.memory_space<hbm>>
        %dma_start3A_350 = tpu.memref_squeeze %dma_start3A_349 : memref<1x16384xf32, #tpu.memory_space<hbm>> -> memref<16384xf32, #tpu.memory_space<hbm>>
        %dma_start3A_351 = tpu.memref_slice %dma_start3A_350[%mul3A_2] : memref<16384xf32, #tpu.memory_space<hbm>> -> memref<1024xf32, #tpu.memory_space<hbm>>
        %dma_start3A_352 = arith.constant 0 : i32
        %dma_start3A_353 = tpu.memref_slice %arg4[%add3A_347, %dma_start3A_352] : memref<640x16384xf32, #tpu.memory_space<hbm>> -> memref<1x16384xf32, #tpu.memory_space<hbm>>
        %dma_start3A_354 = tpu.memref_squeeze %dma_start3A_353 : memref<1x16384xf32, #tpu.memory_space<hbm>> -> memref<16384xf32, #tpu.memory_space<hbm>>
        %dma_start3A_355 = tpu.memref_slice %dma_start3A_354[%mul3A_2] : memref<16384xf32, #tpu.memory_space<hbm>> -> memref<1024xf32, #tpu.memory_space<hbm>>
        tpu.enqueue_dma source(%arg9 : memref<1024xf32, #tpu.memory_space<vmem>>) target(%dma_start3A_355 : memref<1024xf32, #tpu.memory_space<hbm>>) target_semaphore(%arg16 : memref<!tpu.dma_semaphore, #tpu.memory_space<semaphore_mem>>)
        %dma_start3A_356 = arith.constant 6 : i32
        %dma_start3A_357 = arith.constant 0 : i32
        %dma_start3A_358 = tpu.memref_slice %arg3[%dma_start3A_356, %dma_start3A_357] : memref<10x16384xi32, #tpu.memory_space<hbm>> -> memref<1x16384xi32, #tpu.memory_space<hbm>>
        %dma_start3A_359 = tpu.memref_squeeze %dma_start3A_358 : memref<1x16384xi32, #tpu.memory_space<hbm>> -> memref<16384xi32, #tpu.memory_space<hbm>>
        %dma_start3A_360 = tpu.memref_slice %dma_start3A_359[%mul3A_2] : memref<16384xi32, #tpu.memory_space<hbm>> -> memref<1024xi32, #tpu.memory_space<hbm>>
        %dma_start3A_361 = arith.constant 0 : i32
        %dma_start3A_362 = tpu.memref_slice %arg3[%dma_start3A_356, %dma_start3A_361] : memref<10x16384xi32, #tpu.memory_space<hbm>> -> memref<1x16384xi32, #tpu.memory_space<hbm>>
        %dma_start3A_363 = tpu.memref_squeeze %dma_start3A_362 : memref<1x16384xi32, #tpu.memory_space<hbm>> -> memref<16384xi32, #tpu.memory_space<hbm>>
        %dma_start3A_364 = tpu.memref_slice %dma_start3A_363[%mul3A_2] : memref<16384xi32, #tpu.memory_space<hbm>> -> memref<1024xi32, #tpu.memory_space<hbm>>
        tpu.enqueue_dma source(%dma_start3A_364 : memref<1024xi32, #tpu.memory_space<hbm>>) target(%arg7 : memref<1024xi32, #tpu.memory_space<vmem>>) target_semaphore(%arg13 : memref<!tpu.dma_semaphore, #tpu.memory_space<semaphore_mem>>)
        %dma_wait3A_365 = arith.constant 0 : i32
        %dma_wait3A_366 = arith.constant 0 : i32
        %dma_wait3A_367 = tpu.memref_slice %arg4[%dma_wait3A_365, %dma_wait3A_366] : memref<640x16384xf32, #tpu.memory_space<hbm>> -> memref<1x16384xf32, #tpu.memory_space<hbm>>
        %dma_wait3A_368 = tpu.memref_squeeze %dma_wait3A_367 : memref<1x16384xf32, #tpu.memory_space<hbm>> -> memref<16384xf32, #tpu.memory_space<hbm>>
        %dma_wait3A_369 = arith.constant 0 : i32
        %dma_wait3A_370 = tpu.memref_slice %dma_wait3A_368[%dma_wait3A_369] : memref<16384xf32, #tpu.memory_space<hbm>> -> memref<1024xf32, #tpu.memory_space<hbm>>
        %dma_wait3A_371 = arith.constant 0 : i32
        %dma_wait3A_372 = tpu.memref_slice %arg4[%dma_wait3A_365, %dma_wait3A_371] : memref<640x16384xf32, #tpu.memory_space<hbm>> -> memref<1x16384xf32, #tpu.memory_space<hbm>>
        %dma_wait3A_373 = tpu.memref_squeeze %dma_wait3A_372 : memref<1x16384xf32, #tpu.memory_space<hbm>> -> memref<16384xf32, #tpu.memory_space<hbm>>
        %dma_wait3A_374 = arith.constant 0 : i32
        %dma_wait3A_375 = tpu.memref_slice %dma_wait3A_373[%dma_wait3A_374] : memref<16384xf32, #tpu.memory_space<hbm>> -> memref<1024xf32, #tpu.memory_space<hbm>>
        tpu.wait_dma2 semaphore(%arg16 : memref<!tpu.dma_semaphore, #tpu.memory_space<semaphore_mem>>) src(%dma_wait3A_375 : memref<1024xf32, #tpu.memory_space<hbm>>) dst(%arg9 : memref<1024xf32, #tpu.memory_space<vmem>>)
        %dma_wait3A_376 = arith.constant 0 : i32
        %dma_wait3A_377 = arith.constant 0 : i32
        %dma_wait3A_378 = tpu.memref_slice %arg3[%dma_wait3A_376, %dma_wait3A_377] : memref<10x16384xi32, #tpu.memory_space<hbm>> -> memref<1x16384xi32, #tpu.memory_space<hbm>>
        %dma_wait3A_379 = tpu.memref_squeeze %dma_wait3A_378 : memref<1x16384xi32, #tpu.memory_space<hbm>> -> memref<16384xi32, #tpu.memory_space<hbm>>
        %dma_wait3A_380 = arith.constant 0 : i32
        %dma_wait3A_381 = tpu.memref_slice %dma_wait3A_379[%dma_wait3A_380] : memref<16384xi32, #tpu.memory_space<hbm>> -> memref<1024xi32, #tpu.memory_space<hbm>>
        %dma_wait3A_382 = arith.constant 0 : i32
        %dma_wait3A_383 = tpu.memref_slice %arg3[%dma_wait3A_376, %dma_wait3A_382] : memref<10x16384xi32, #tpu.memory_space<hbm>> -> memref<1x16384xi32, #tpu.memory_space<hbm>>
        %dma_wait3A_384 = tpu.memref_squeeze %dma_wait3A_383 : memref<1x16384xi32, #tpu.memory_space<hbm>> -> memref<16384xi32, #tpu.memory_space<hbm>>
        %dma_wait3A_385 = arith.constant 0 : i32
        %dma_wait3A_386 = tpu.memref_slice %dma_wait3A_384[%dma_wait3A_385] : memref<16384xi32, #tpu.memory_space<hbm>> -> memref<1024xi32, #tpu.memory_space<hbm>>
        tpu.wait_dma2 semaphore(%arg13 : memref<!tpu.dma_semaphore, #tpu.memory_space<semaphore_mem>>) src(%dma_wait3A_386 : memref<1024xi32, #tpu.memory_space<hbm>>) dst(%arg7 : memref<1024xi32, #tpu.memory_space<vmem>>)
        %dma_start3A_387 = arith.constant 0 : i32
        %dma_start3A_388 = tpu.memref_slice %arg6[%dma_start3A_387] : memref<1000000xf32, #tpu.memory_space<vmem_shared>> -> memref<1000000xf32, #tpu.memory_space<vmem_shared>>
        tpu.enqueue_indirect_dma source(%dma_start3A_388 : memref<1000000xf32, #tpu.memory_space<vmem_shared>>) target(%arg9 : memref<1024xf32, #tpu.memory_space<vmem>>) offsets(%arg7 : memref<1024xi32, #tpu.memory_space<vmem>>) semaphore(%arg15 : memref<!tpu.dma_semaphore, #tpu.memory_space<semaphore_mem>>)
        %dma_wait3A_389 = arith.constant 0 : i32
        %dma_wait3A_390 = arith.constant 0 : i32
        %dma_wait3A_391 = tpu.memref_slice %arg4[%dma_wait3A_389, %dma_wait3A_390] : memref<640x16384xf32, #tpu.memory_space<hbm>> -> memref<1x16384xf32, #tpu.memory_space<hbm>>
        %dma_wait3A_392 = tpu.memref_squeeze %dma_wait3A_391 : memref<1x16384xf32, #tpu.memory_space<hbm>> -> memref<16384xf32, #tpu.memory_space<hbm>>
        %dma_wait3A_393 = arith.constant 0 : i32
        %dma_wait3A_394 = tpu.memref_slice %dma_wait3A_392[%dma_wait3A_393] : memref<16384xf32, #tpu.memory_space<hbm>> -> memref<1024xf32, #tpu.memory_space<hbm>>
        %dma_wait3A_395 = arith.constant 0 : i32
        %dma_wait3A_396 = tpu.memref_slice %arg4[%dma_wait3A_389, %dma_wait3A_395] : memref<640x16384xf32, #tpu.memory_space<hbm>> -> memref<1x16384xf32, #tpu.memory_space<hbm>>
        %dma_wait3A_397 = tpu.memref_squeeze %dma_wait3A_396 : memref<1x16384xf32, #tpu.memory_space<hbm>> -> memref<16384xf32, #tpu.memory_space<hbm>>
        %dma_wait3A_398 = arith.constant 0 : i32
        %dma_wait3A_399 = tpu.memref_slice %dma_wait3A_397[%dma_wait3A_398] : memref<16384xf32, #tpu.memory_space<hbm>> -> memref<1024xf32, #tpu.memory_space<hbm>>
        tpu.wait_dma2 semaphore(%arg15 : memref<!tpu.dma_semaphore, #tpu.memory_space<semaphore_mem>>) src(%dma_wait3A_399 : memref<1024xf32, #tpu.memory_space<hbm>>) dst(%arg10 : memref<1024xf32, #tpu.memory_space<vmem>>)
        %add3A_400 = arith.constant 320 : i32
        %add3A_401 = arith.addi %add3A_400, %add3A : i32
        %dma_start3A_402 = arith.constant 0 : i32
        %dma_start3A_403 = tpu.memref_slice %arg4[%add3A_401, %dma_start3A_402] : memref<640x16384xf32, #tpu.memory_space<hbm>> -> memref<1x16384xf32, #tpu.memory_space<hbm>>
        %dma_start3A_404 = tpu.memref_squeeze %dma_start3A_403 : memref<1x16384xf32, #tpu.memory_space<hbm>> -> memref<16384xf32, #tpu.memory_space<hbm>>
        %dma_start3A_405 = tpu.memref_slice %dma_start3A_404[%mul3A_2] : memref<16384xf32, #tpu.memory_space<hbm>> -> memref<1024xf32, #tpu.memory_space<hbm>>
        %dma_start3A_406 = arith.constant 0 : i32
        %dma_start3A_407 = tpu.memref_slice %arg4[%add3A_401, %dma_start3A_406] : memref<640x16384xf32, #tpu.memory_space<hbm>> -> memref<1x16384xf32, #tpu.memory_space<hbm>>
        %dma_start3A_408 = tpu.memref_squeeze %dma_start3A_407 : memref<1x16384xf32, #tpu.memory_space<hbm>> -> memref<16384xf32, #tpu.memory_space<hbm>>
        %dma_start3A_409 = tpu.memref_slice %dma_start3A_408[%mul3A_2] : memref<16384xf32, #tpu.memory_space<hbm>> -> memref<1024xf32, #tpu.memory_space<hbm>>
        tpu.enqueue_dma source(%arg10 : memref<1024xf32, #tpu.memory_space<vmem>>) target(%dma_start3A_409 : memref<1024xf32, #tpu.memory_space<hbm>>) target_semaphore(%arg17 : memref<!tpu.dma_semaphore, #tpu.memory_space<semaphore_mem>>)
        %dma_start3A_410 = arith.constant 7 : i32
        %dma_start3A_411 = arith.constant 0 : i32
        %dma_start3A_412 = tpu.memref_slice %arg3[%dma_start3A_410, %dma_start3A_411] : memref<10x16384xi32, #tpu.memory_space<hbm>> -> memref<1x16384xi32, #tpu.memory_space<hbm>>
        %dma_start3A_413 = tpu.memref_squeeze %dma_start3A_412 : memref<1x16384xi32, #tpu.memory_space<hbm>> -> memref<16384xi32, #tpu.memory_space<hbm>>
        %dma_start3A_414 = tpu.memref_slice %dma_start3A_413[%mul3A_2] : memref<16384xi32, #tpu.memory_space<hbm>> -> memref<1024xi32, #tpu.memory_space<hbm>>
        %dma_start3A_415 = arith.constant 0 : i32
        %dma_start3A_416 = tpu.memref_slice %arg3[%dma_start3A_410, %dma_start3A_415] : memref<10x16384xi32, #tpu.memory_space<hbm>> -> memref<1x16384xi32, #tpu.memory_space<hbm>>
        %dma_start3A_417 = tpu.memref_squeeze %dma_start3A_416 : memref<1x16384xi32, #tpu.memory_space<hbm>> -> memref<16384xi32, #tpu.memory_space<hbm>>
        %dma_start3A_418 = tpu.memref_slice %dma_start3A_417[%mul3A_2] : memref<16384xi32, #tpu.memory_space<hbm>> -> memref<1024xi32, #tpu.memory_space<hbm>>
        tpu.enqueue_dma source(%dma_start3A_418 : memref<1024xi32, #tpu.memory_space<hbm>>) target(%arg8 : memref<1024xi32, #tpu.memory_space<vmem>>) target_semaphore(%arg14 : memref<!tpu.dma_semaphore, #tpu.memory_space<semaphore_mem>>)
        %dma_wait3A_419 = arith.constant 0 : i32
        %dma_wait3A_420 = arith.constant 0 : i32
        %dma_wait3A_421 = tpu.memref_slice %arg4[%dma_wait3A_419, %dma_wait3A_420] : memref<640x16384xf32, #tpu.memory_space<hbm>> -> memref<1x16384xf32, #tpu.memory_space<hbm>>
        %dma_wait3A_422 = tpu.memref_squeeze %dma_wait3A_421 : memref<1x16384xf32, #tpu.memory_space<hbm>> -> memref<16384xf32, #tpu.memory_space<hbm>>
        %dma_wait3A_423 = arith.constant 0 : i32
        %dma_wait3A_424 = tpu.memref_slice %dma_wait3A_422[%dma_wait3A_423] : memref<16384xf32, #tpu.memory_space<hbm>> -> memref<1024xf32, #tpu.memory_space<hbm>>
        %dma_wait3A_425 = arith.constant 0 : i32
        %dma_wait3A_426 = tpu.memref_slice %arg4[%dma_wait3A_419, %dma_wait3A_425] : memref<640x16384xf32, #tpu.memory_space<hbm>> -> memref<1x16384xf32, #tpu.memory_space<hbm>>
        %dma_wait3A_427 = tpu.memref_squeeze %dma_wait3A_426 : memref<1x16384xf32, #tpu.memory_space<hbm>> -> memref<16384xf32, #tpu.memory_space<hbm>>
        %dma_wait3A_428 = arith.constant 0 : i32
        %dma_wait3A_429 = tpu.memref_slice %dma_wait3A_427[%dma_wait3A_428] : memref<16384xf32, #tpu.memory_space<hbm>> -> memref<1024xf32, #tpu.memory_space<hbm>>
        tpu.wait_dma2 semaphore(%arg17 : memref<!tpu.dma_semaphore, #tpu.memory_space<semaphore_mem>>) src(%dma_wait3A_429 : memref<1024xf32, #tpu.memory_space<hbm>>) dst(%arg10 : memref<1024xf32, #tpu.memory_space<vmem>>)
        %dma_wait3A_430 = arith.constant 0 : i32
        %dma_wait3A_431 = arith.constant 0 : i32
        %dma_wait3A_432 = tpu.memref_slice %arg3[%dma_wait3A_430, %dma_wait3A_431] : memref<10x16384xi32, #tpu.memory_space<hbm>> -> memref<1x16384xi32, #tpu.memory_space<hbm>>
        %dma_wait3A_433 = tpu.memref_squeeze %dma_wait3A_432 : memref<1x16384xi32, #tpu.memory_space<hbm>> -> memref<16384xi32, #tpu.memory_space<hbm>>
        %dma_wait3A_434 = arith.constant 0 : i32
        %dma_wait3A_435 = tpu.memref_slice %dma_wait3A_433[%dma_wait3A_434] : memref<16384xi32, #tpu.memory_space<hbm>> -> memref<1024xi32, #tpu.memory_space<hbm>>
        %dma_wait3A_436 = arith.constant 0 : i32
        %dma_wait3A_437 = tpu.memref_slice %arg3[%dma_wait3A_430, %dma_wait3A_436] : memref<10x16384xi32, #tpu.memory_space<hbm>> -> memref<1x16384xi32, #tpu.memory_space<hbm>>
        %dma_wait3A_438 = tpu.memref_squeeze %dma_wait3A_437 : memref<1x16384xi32, #tpu.memory_space<hbm>> -> memref<16384xi32, #tpu.memory_space<hbm>>
        %dma_wait3A_439 = arith.constant 0 : i32
        %dma_wait3A_440 = tpu.memref_slice %dma_wait3A_438[%dma_wait3A_439] : memref<16384xi32, #tpu.memory_space<hbm>> -> memref<1024xi32, #tpu.memory_space<hbm>>
        tpu.wait_dma2 semaphore(%arg14 : memref<!tpu.dma_semaphore, #tpu.memory_space<semaphore_mem>>) src(%dma_wait3A_440 : memref<1024xi32, #tpu.memory_space<hbm>>) dst(%arg8 : memref<1024xi32, #tpu.memory_space<vmem>>)
        %dma_start3A_441 = arith.constant 0 : i32
        %dma_start3A_442 = tpu.memref_slice %arg6[%dma_start3A_441] : memref<1000000xf32, #tpu.memory_space<vmem_shared>> -> memref<1000000xf32, #tpu.memory_space<vmem_shared>>
        tpu.enqueue_indirect_dma source(%dma_start3A_442 : memref<1000000xf32, #tpu.memory_space<vmem_shared>>) target(%arg10 : memref<1024xf32, #tpu.memory_space<vmem>>) offsets(%arg8 : memref<1024xi32, #tpu.memory_space<vmem>>) semaphore(%arg15 : memref<!tpu.dma_semaphore, #tpu.memory_space<semaphore_mem>>)
        %dma_wait3A_443 = arith.constant 0 : i32
        %dma_wait3A_444 = arith.constant 0 : i32
        %dma_wait3A_445 = tpu.memref_slice %arg4[%dma_wait3A_443, %dma_wait3A_444] : memref<640x16384xf32, #tpu.memory_space<hbm>> -> memref<1x16384xf32, #tpu.memory_space<hbm>>
        %dma_wait3A_446 = tpu.memref_squeeze %dma_wait3A_445 : memref<1x16384xf32, #tpu.memory_space<hbm>> -> memref<16384xf32, #tpu.memory_space<hbm>>
        %dma_wait3A_447 = arith.constant 0 : i32
        %dma_wait3A_448 = tpu.memref_slice %dma_wait3A_446[%dma_wait3A_447] : memref<16384xf32, #tpu.memory_space<hbm>> -> memref<1024xf32, #tpu.memory_space<hbm>>
        %dma_wait3A_449 = arith.constant 0 : i32
        %dma_wait3A_450 = tpu.memref_slice %arg4[%dma_wait3A_443, %dma_wait3A_449] : memref<640x16384xf32, #tpu.memory_space<hbm>> -> memref<1x16384xf32, #tpu.memory_space<hbm>>
        %dma_wait3A_451 = tpu.memref_squeeze %dma_wait3A_450 : memref<1x16384xf32, #tpu.memory_space<hbm>> -> memref<16384xf32, #tpu.memory_space<hbm>>
        %dma_wait3A_452 = arith.constant 0 : i32
        %dma_wait3A_453 = tpu.memref_slice %dma_wait3A_451[%dma_wait3A_452] : memref<16384xf32, #tpu.memory_space<hbm>> -> memref<1024xf32, #tpu.memory_space<hbm>>
        tpu.wait_dma2 semaphore(%arg15 : memref<!tpu.dma_semaphore, #tpu.memory_space<semaphore_mem>>) src(%dma_wait3A_453 : memref<1024xf32, #tpu.memory_space<hbm>>) dst(%arg9 : memref<1024xf32, #tpu.memory_space<vmem>>)
        %add3A_454 = arith.constant 384 : i32
        %add3A_455 = arith.addi %add3A_454, %add3A : i32
        %dma_start3A_456 = arith.constant 0 : i32
        %dma_start3A_457 = tpu.memref_slice %arg4[%add3A_455, %dma_start3A_456] : memref<640x16384xf32, #tpu.memory_space<hbm>> -> memref<1x16384xf32, #tpu.memory_space<hbm>>
        %dma_start3A_458 = tpu.memref_squeeze %dma_start3A_457 : memref<1x16384xf32, #tpu.memory_space<hbm>> -> memref<16384xf32, #tpu.memory_space<hbm>>
        %dma_start3A_459 = tpu.memref_slice %dma_start3A_458[%mul3A_2] : memref<16384xf32, #tpu.memory_space<hbm>> -> memref<1024xf32, #tpu.memory_space<hbm>>
        %dma_start3A_460 = arith.constant 0 : i32
        %dma_start3A_461 = tpu.memref_slice %arg4[%add3A_455, %dma_start3A_460] : memref<640x16384xf32, #tpu.memory_space<hbm>> -> memref<1x16384xf32, #tpu.memory_space<hbm>>
        %dma_start3A_462 = tpu.memref_squeeze %dma_start3A_461 : memref<1x16384xf32, #tpu.memory_space<hbm>> -> memref<16384xf32, #tpu.memory_space<hbm>>
        %dma_start3A_463 = tpu.memref_slice %dma_start3A_462[%mul3A_2] : memref<16384xf32, #tpu.memory_space<hbm>> -> memref<1024xf32, #tpu.memory_space<hbm>>
        tpu.enqueue_dma source(%arg9 : memref<1024xf32, #tpu.memory_space<vmem>>) target(%dma_start3A_463 : memref<1024xf32, #tpu.memory_space<hbm>>) target_semaphore(%arg16 : memref<!tpu.dma_semaphore, #tpu.memory_space<semaphore_mem>>)
        %dma_start3A_464 = arith.constant 8 : i32
        %dma_start3A_465 = arith.constant 0 : i32
        %dma_start3A_466 = tpu.memref_slice %arg3[%dma_start3A_464, %dma_start3A_465] : memref<10x16384xi32, #tpu.memory_space<hbm>> -> memref<1x16384xi32, #tpu.memory_space<hbm>>
        %dma_start3A_467 = tpu.memref_squeeze %dma_start3A_466 : memref<1x16384xi32, #tpu.memory_space<hbm>> -> memref<16384xi32, #tpu.memory_space<hbm>>
        %dma_start3A_468 = tpu.memref_slice %dma_start3A_467[%mul3A_2] : memref<16384xi32, #tpu.memory_space<hbm>> -> memref<1024xi32, #tpu.memory_space<hbm>>
        %dma_start3A_469 = arith.constant 0 : i32
        %dma_start3A_470 = tpu.memref_slice %arg3[%dma_start3A_464, %dma_start3A_469] : memref<10x16384xi32, #tpu.memory_space<hbm>> -> memref<1x16384xi32, #tpu.memory_space<hbm>>
        %dma_start3A_471 = tpu.memref_squeeze %dma_start3A_470 : memref<1x16384xi32, #tpu.memory_space<hbm>> -> memref<16384xi32, #tpu.memory_space<hbm>>
        %dma_start3A_472 = tpu.memref_slice %dma_start3A_471[%mul3A_2] : memref<16384xi32, #tpu.memory_space<hbm>> -> memref<1024xi32, #tpu.memory_space<hbm>>
        tpu.enqueue_dma source(%dma_start3A_472 : memref<1024xi32, #tpu.memory_space<hbm>>) target(%arg7 : memref<1024xi32, #tpu.memory_space<vmem>>) target_semaphore(%arg13 : memref<!tpu.dma_semaphore, #tpu.memory_space<semaphore_mem>>)
        %dma_wait3A_473 = arith.constant 0 : i32
        %dma_wait3A_474 = arith.constant 0 : i32
        %dma_wait3A_475 = tpu.memref_slice %arg4[%dma_wait3A_473, %dma_wait3A_474] : memref<640x16384xf32, #tpu.memory_space<hbm>> -> memref<1x16384xf32, #tpu.memory_space<hbm>>
        %dma_wait3A_476 = tpu.memref_squeeze %dma_wait3A_475 : memref<1x16384xf32, #tpu.memory_space<hbm>> -> memref<16384xf32, #tpu.memory_space<hbm>>
        %dma_wait3A_477 = arith.constant 0 : i32
        %dma_wait3A_478 = tpu.memref_slice %dma_wait3A_476[%dma_wait3A_477] : memref<16384xf32, #tpu.memory_space<hbm>> -> memref<1024xf32, #tpu.memory_space<hbm>>
        %dma_wait3A_479 = arith.constant 0 : i32
        %dma_wait3A_480 = tpu.memref_slice %arg4[%dma_wait3A_473, %dma_wait3A_479] : memref<640x16384xf32, #tpu.memory_space<hbm>> -> memref<1x16384xf32, #tpu.memory_space<hbm>>
        %dma_wait3A_481 = tpu.memref_squeeze %dma_wait3A_480 : memref<1x16384xf32, #tpu.memory_space<hbm>> -> memref<16384xf32, #tpu.memory_space<hbm>>
        %dma_wait3A_482 = arith.constant 0 : i32
        %dma_wait3A_483 = tpu.memref_slice %dma_wait3A_481[%dma_wait3A_482] : memref<16384xf32, #tpu.memory_space<hbm>> -> memref<1024xf32, #tpu.memory_space<hbm>>
        tpu.wait_dma2 semaphore(%arg16 : memref<!tpu.dma_semaphore, #tpu.memory_space<semaphore_mem>>) src(%dma_wait3A_483 : memref<1024xf32, #tpu.memory_space<hbm>>) dst(%arg9 : memref<1024xf32, #tpu.memory_space<vmem>>)
        %dma_wait3A_484 = arith.constant 0 : i32
        %dma_wait3A_485 = arith.constant 0 : i32
        %dma_wait3A_486 = tpu.memref_slice %arg3[%dma_wait3A_484, %dma_wait3A_485] : memref<10x16384xi32, #tpu.memory_space<hbm>> -> memref<1x16384xi32, #tpu.memory_space<hbm>>
        %dma_wait3A_487 = tpu.memref_squeeze %dma_wait3A_486 : memref<1x16384xi32, #tpu.memory_space<hbm>> -> memref<16384xi32, #tpu.memory_space<hbm>>
        %dma_wait3A_488 = arith.constant 0 : i32
        %dma_wait3A_489 = tpu.memref_slice %dma_wait3A_487[%dma_wait3A_488] : memref<16384xi32, #tpu.memory_space<hbm>> -> memref<1024xi32, #tpu.memory_space<hbm>>
        %dma_wait3A_490 = arith.constant 0 : i32
        %dma_wait3A_491 = tpu.memref_slice %arg3[%dma_wait3A_484, %dma_wait3A_490] : memref<10x16384xi32, #tpu.memory_space<hbm>> -> memref<1x16384xi32, #tpu.memory_space<hbm>>
        %dma_wait3A_492 = tpu.memref_squeeze %dma_wait3A_491 : memref<1x16384xi32, #tpu.memory_space<hbm>> -> memref<16384xi32, #tpu.memory_space<hbm>>
        %dma_wait3A_493 = arith.constant 0 : i32
        %dma_wait3A_494 = tpu.memref_slice %dma_wait3A_492[%dma_wait3A_493] : memref<16384xi32, #tpu.memory_space<hbm>> -> memref<1024xi32, #tpu.memory_space<hbm>>
        tpu.wait_dma2 semaphore(%arg13 : memref<!tpu.dma_semaphore, #tpu.memory_space<semaphore_mem>>) src(%dma_wait3A_494 : memref<1024xi32, #tpu.memory_space<hbm>>) dst(%arg7 : memref<1024xi32, #tpu.memory_space<vmem>>)
        %dma_start3A_495 = arith.constant 0 : i32
        %dma_start3A_496 = tpu.memref_slice %arg6[%dma_start3A_495] : memref<1000000xf32, #tpu.memory_space<vmem_shared>> -> memref<1000000xf32, #tpu.memory_space<vmem_shared>>
        tpu.enqueue_indirect_dma source(%dma_start3A_496 : memref<1000000xf32, #tpu.memory_space<vmem_shared>>) target(%arg9 : memref<1024xf32, #tpu.memory_space<vmem>>) offsets(%arg7 : memref<1024xi32, #tpu.memory_space<vmem>>) semaphore(%arg15 : memref<!tpu.dma_semaphore, #tpu.memory_space<semaphore_mem>>)
        %dma_wait3A_497 = arith.constant 0 : i32
        %dma_wait3A_498 = arith.constant 0 : i32
        %dma_wait3A_499 = tpu.memref_slice %arg4[%dma_wait3A_497, %dma_wait3A_498] : memref<640x16384xf32, #tpu.memory_space<hbm>> -> memref<1x16384xf32, #tpu.memory_space<hbm>>
        %dma_wait3A_500 = tpu.memref_squeeze %dma_wait3A_499 : memref<1x16384xf32, #tpu.memory_space<hbm>> -> memref<16384xf32, #tpu.memory_space<hbm>>
        %dma_wait3A_501 = arith.constant 0 : i32
        %dma_wait3A_502 = tpu.memref_slice %dma_wait3A_500[%dma_wait3A_501] : memref<16384xf32, #tpu.memory_space<hbm>> -> memref<1024xf32, #tpu.memory_space<hbm>>
        %dma_wait3A_503 = arith.constant 0 : i32
        %dma_wait3A_504 = tpu.memref_slice %arg4[%dma_wait3A_497, %dma_wait3A_503] : memref<640x16384xf32, #tpu.memory_space<hbm>> -> memref<1x16384xf32, #tpu.memory_space<hbm>>
        %dma_wait3A_505 = tpu.memref_squeeze %dma_wait3A_504 : memref<1x16384xf32, #tpu.memory_space<hbm>> -> memref<16384xf32, #tpu.memory_space<hbm>>
        %dma_wait3A_506 = arith.constant 0 : i32
        %dma_wait3A_507 = tpu.memref_slice %dma_wait3A_505[%dma_wait3A_506] : memref<16384xf32, #tpu.memory_space<hbm>> -> memref<1024xf32, #tpu.memory_space<hbm>>
        tpu.wait_dma2 semaphore(%arg15 : memref<!tpu.dma_semaphore, #tpu.memory_space<semaphore_mem>>) src(%dma_wait3A_507 : memref<1024xf32, #tpu.memory_space<hbm>>) dst(%arg10 : memref<1024xf32, #tpu.memory_space<vmem>>)
        %add3A_508 = arith.constant 448 : i32
        %add3A_509 = arith.addi %add3A_508, %add3A : i32
        %dma_start3A_510 = arith.constant 0 : i32
        %dma_start3A_511 = tpu.memref_slice %arg4[%add3A_509, %dma_start3A_510] : memref<640x16384xf32, #tpu.memory_space<hbm>> -> memref<1x16384xf32, #tpu.memory_space<hbm>>
        %dma_start3A_512 = tpu.memref_squeeze %dma_start3A_511 : memref<1x16384xf32, #tpu.memory_space<hbm>> -> memref<16384xf32, #tpu.memory_space<hbm>>
        %dma_start3A_513 = tpu.memref_slice %dma_start3A_512[%mul3A_2] : memref<16384xf32, #tpu.memory_space<hbm>> -> memref<1024xf32, #tpu.memory_space<hbm>>
        %dma_start3A_514 = arith.constant 0 : i32
        %dma_start3A_515 = tpu.memref_slice %arg4[%add3A_509, %dma_start3A_514] : memref<640x16384xf32, #tpu.memory_space<hbm>> -> memref<1x16384xf32, #tpu.memory_space<hbm>>
        %dma_start3A_516 = tpu.memref_squeeze %dma_start3A_515 : memref<1x16384xf32, #tpu.memory_space<hbm>> -> memref<16384xf32, #tpu.memory_space<hbm>>
        %dma_start3A_517 = tpu.memref_slice %dma_start3A_516[%mul3A_2] : memref<16384xf32, #tpu.memory_space<hbm>> -> memref<1024xf32, #tpu.memory_space<hbm>>
        tpu.enqueue_dma source(%arg10 : memref<1024xf32, #tpu.memory_space<vmem>>) target(%dma_start3A_517 : memref<1024xf32, #tpu.memory_space<hbm>>) target_semaphore(%arg17 : memref<!tpu.dma_semaphore, #tpu.memory_space<semaphore_mem>>)
        %dma_start3A_518 = arith.constant 9 : i32
        %dma_start3A_519 = arith.constant 0 : i32
        %dma_start3A_520 = tpu.memref_slice %arg3[%dma_start3A_518, %dma_start3A_519] : memref<10x16384xi32, #tpu.memory_space<hbm>> -> memref<1x16384xi32, #tpu.memory_space<hbm>>
        %dma_start3A_521 = tpu.memref_squeeze %dma_start3A_520 : memref<1x16384xi32, #tpu.memory_space<hbm>> -> memref<16384xi32, #tpu.memory_space<hbm>>
        %dma_start3A_522 = tpu.memref_slice %dma_start3A_521[%mul3A_2] : memref<16384xi32, #tpu.memory_space<hbm>> -> memref<1024xi32, #tpu.memory_space<hbm>>
        %dma_start3A_523 = arith.constant 0 : i32
        %dma_start3A_524 = tpu.memref_slice %arg3[%dma_start3A_518, %dma_start3A_523] : memref<10x16384xi32, #tpu.memory_space<hbm>> -> memref<1x16384xi32, #tpu.memory_space<hbm>>
        %dma_start3A_525 = tpu.memref_squeeze %dma_start3A_524 : memref<1x16384xi32, #tpu.memory_space<hbm>> -> memref<16384xi32, #tpu.memory_space<hbm>>
        %dma_start3A_526 = tpu.memref_slice %dma_start3A_525[%mul3A_2] : memref<16384xi32, #tpu.memory_space<hbm>> -> memref<1024xi32, #tpu.memory_space<hbm>>
        tpu.enqueue_dma source(%dma_start3A_526 : memref<1024xi32, #tpu.memory_space<hbm>>) target(%arg8 : memref<1024xi32, #tpu.memory_space<vmem>>) target_semaphore(%arg14 : memref<!tpu.dma_semaphore, #tpu.memory_space<semaphore_mem>>)
        %dma_wait3A_527 = arith.constant 0 : i32
        %dma_wait3A_528 = arith.constant 0 : i32
        %dma_wait3A_529 = tpu.memref_slice %arg4[%dma_wait3A_527, %dma_wait3A_528] : memref<640x16384xf32, #tpu.memory_space<hbm>> -> memref<1x16384xf32, #tpu.memory_space<hbm>>
        %dma_wait3A_530 = tpu.memref_squeeze %dma_wait3A_529 : memref<1x16384xf32, #tpu.memory_space<hbm>> -> memref<16384xf32, #tpu.memory_space<hbm>>
        %dma_wait3A_531 = arith.constant 0 : i32
        %dma_wait3A_532 = tpu.memref_slice %dma_wait3A_530[%dma_wait3A_531] : memref<16384xf32, #tpu.memory_space<hbm>> -> memref<1024xf32, #tpu.memory_space<hbm>>
        %dma_wait3A_533 = arith.constant 0 : i32
        %dma_wait3A_534 = tpu.memref_slice %arg4[%dma_wait3A_527, %dma_wait3A_533] : memref<640x16384xf32, #tpu.memory_space<hbm>> -> memref<1x16384xf32, #tpu.memory_space<hbm>>
        %dma_wait3A_535 = tpu.memref_squeeze %dma_wait3A_534 : memref<1x16384xf32, #tpu.memory_space<hbm>> -> memref<16384xf32, #tpu.memory_space<hbm>>
        %dma_wait3A_536 = arith.constant 0 : i32
        %dma_wait3A_537 = tpu.memref_slice %dma_wait3A_535[%dma_wait3A_536] : memref<16384xf32, #tpu.memory_space<hbm>> -> memref<1024xf32, #tpu.memory_space<hbm>>
        tpu.wait_dma2 semaphore(%arg17 : memref<!tpu.dma_semaphore, #tpu.memory_space<semaphore_mem>>) src(%dma_wait3A_537 : memref<1024xf32, #tpu.memory_space<hbm>>) dst(%arg10 : memref<1024xf32, #tpu.memory_space<vmem>>)
        %dma_wait3A_538 = arith.constant 0 : i32
        %dma_wait3A_539 = arith.constant 0 : i32
        %dma_wait3A_540 = tpu.memref_slice %arg3[%dma_wait3A_538, %dma_wait3A_539] : memref<10x16384xi32, #tpu.memory_space<hbm>> -> memref<1x16384xi32, #tpu.memory_space<hbm>>
        %dma_wait3A_541 = tpu.memref_squeeze %dma_wait3A_540 : memref<1x16384xi32, #tpu.memory_space<hbm>> -> memref<16384xi32, #tpu.memory_space<hbm>>
        %dma_wait3A_542 = arith.constant 0 : i32
        %dma_wait3A_543 = tpu.memref_slice %dma_wait3A_541[%dma_wait3A_542] : memref<16384xi32, #tpu.memory_space<hbm>> -> memref<1024xi32, #tpu.memory_space<hbm>>
        %dma_wait3A_544 = arith.constant 0 : i32
        %dma_wait3A_545 = tpu.memref_slice %arg3[%dma_wait3A_538, %dma_wait3A_544] : memref<10x16384xi32, #tpu.memory_space<hbm>> -> memref<1x16384xi32, #tpu.memory_space<hbm>>
        %dma_wait3A_546 = tpu.memref_squeeze %dma_wait3A_545 : memref<1x16384xi32, #tpu.memory_space<hbm>> -> memref<16384xi32, #tpu.memory_space<hbm>>
        %dma_wait3A_547 = arith.constant 0 : i32
        %dma_wait3A_548 = tpu.memref_slice %dma_wait3A_546[%dma_wait3A_547] : memref<16384xi32, #tpu.memory_space<hbm>> -> memref<1024xi32, #tpu.memory_space<hbm>>
        tpu.wait_dma2 semaphore(%arg14 : memref<!tpu.dma_semaphore, #tpu.memory_space<semaphore_mem>>) src(%dma_wait3A_548 : memref<1024xi32, #tpu.memory_space<hbm>>) dst(%arg8 : memref<1024xi32, #tpu.memory_space<vmem>>)
        %dma_start3A_549 = arith.constant 0 : i32
        %dma_start3A_550 = tpu.memref_slice %arg6[%dma_start3A_549] : memref<1000000xf32, #tpu.memory_space<vmem_shared>> -> memref<1000000xf32, #tpu.memory_space<vmem_shared>>
        tpu.enqueue_indirect_dma source(%dma_start3A_550 : memref<1000000xf32, #tpu.memory_space<vmem_shared>>) target(%arg10 : memref<1024xf32, #tpu.memory_space<vmem>>) offsets(%arg8 : memref<1024xi32, #tpu.memory_space<vmem>>) semaphore(%arg15 : memref<!tpu.dma_semaphore, #tpu.memory_space<semaphore_mem>>)
        %dma_wait3A_551 = arith.constant 0 : i32
        %dma_wait3A_552 = arith.constant 0 : i32
        %dma_wait3A_553 = tpu.memref_slice %arg4[%dma_wait3A_551, %dma_wait3A_552] : memref<640x16384xf32, #tpu.memory_space<hbm>> -> memref<1x16384xf32, #tpu.memory_space<hbm>>
        %dma_wait3A_554 = tpu.memref_squeeze %dma_wait3A_553 : memref<1x16384xf32, #tpu.memory_space<hbm>> -> memref<16384xf32, #tpu.memory_space<hbm>>
        %dma_wait3A_555 = arith.constant 0 : i32
        %dma_wait3A_556 = tpu.memref_slice %dma_wait3A_554[%dma_wait3A_555] : memref<16384xf32, #tpu.memory_space<hbm>> -> memref<1024xf32, #tpu.memory_space<hbm>>
        %dma_wait3A_557 = arith.constant 0 : i32
        %dma_wait3A_558 = tpu.memref_slice %arg4[%dma_wait3A_551, %dma_wait3A_557] : memref<640x16384xf32, #tpu.memory_space<hbm>> -> memref<1x16384xf32, #tpu.memory_space<hbm>>
        %dma_wait3A_559 = tpu.memref_squeeze %dma_wait3A_558 : memref<1x16384xf32, #tpu.memory_space<hbm>> -> memref<16384xf32, #tpu.memory_space<hbm>>
        %dma_wait3A_560 = arith.constant 0 : i32
        %dma_wait3A_561 = tpu.memref_slice %dma_wait3A_559[%dma_wait3A_560] : memref<16384xf32, #tpu.memory_space<hbm>> -> memref<1024xf32, #tpu.memory_space<hbm>>
        tpu.wait_dma2 semaphore(%arg15 : memref<!tpu.dma_semaphore, #tpu.memory_space<semaphore_mem>>) src(%dma_wait3A_561 : memref<1024xf32, #tpu.memory_space<hbm>>) dst(%arg9 : memref<1024xf32, #tpu.memory_space<vmem>>)
        %add3A_562 = arith.constant 512 : i32
        %add3A_563 = arith.addi %add3A_562, %add3A : i32
        %dma_start3A_564 = arith.constant 0 : i32
        %dma_start3A_565 = tpu.memref_slice %arg4[%add3A_563, %dma_start3A_564] : memref<640x16384xf32, #tpu.memory_space<hbm>> -> memref<1x16384xf32, #tpu.memory_space<hbm>>
        %dma_start3A_566 = tpu.memref_squeeze %dma_start3A_565 : memref<1x16384xf32, #tpu.memory_space<hbm>> -> memref<16384xf32, #tpu.memory_space<hbm>>
        %dma_start3A_567 = tpu.memref_slice %dma_start3A_566[%mul3A_2] : memref<16384xf32, #tpu.memory_space<hbm>> -> memref<1024xf32, #tpu.memory_space<hbm>>
        %dma_start3A_568 = arith.constant 0 : i32
        %dma_start3A_569 = tpu.memref_slice %arg4[%add3A_563, %dma_start3A_568] : memref<640x16384xf32, #tpu.memory_space<hbm>> -> memref<1x16384xf32, #tpu.memory_space<hbm>>
        %dma_start3A_570 = tpu.memref_squeeze %dma_start3A_569 : memref<1x16384xf32, #tpu.memory_space<hbm>> -> memref<16384xf32, #tpu.memory_space<hbm>>
        %dma_start3A_571 = tpu.memref_slice %dma_start3A_570[%mul3A_2] : memref<16384xf32, #tpu.memory_space<hbm>> -> memref<1024xf32, #tpu.memory_space<hbm>>
        tpu.enqueue_dma source(%arg9 : memref<1024xf32, #tpu.memory_space<vmem>>) target(%dma_start3A_571 : memref<1024xf32, #tpu.memory_space<hbm>>) target_semaphore(%arg16 : memref<!tpu.dma_semaphore, #tpu.memory_space<semaphore_mem>>)
        %dma_start3A_572 = arith.constant 0 : i32
        %dma_start3A_573 = arith.constant 0 : i32
        %dma_start3A_574 = tpu.memref_slice %arg3[%dma_start3A_572, %dma_start3A_573] : memref<10x16384xi32, #tpu.memory_space<hbm>> -> memref<1x16384xi32, #tpu.memory_space<hbm>>
        %dma_start3A_575 = tpu.memref_squeeze %dma_start3A_574 : memref<1x16384xi32, #tpu.memory_space<hbm>> -> memref<16384xi32, #tpu.memory_space<hbm>>
        %dma_start3A_576 = tpu.memref_slice %dma_start3A_575[%mul3A_2] : memref<16384xi32, #tpu.memory_space<hbm>> -> memref<1024xi32, #tpu.memory_space<hbm>>
        %dma_start3A_577 = arith.constant 0 : i32
        %dma_start3A_578 = tpu.memref_slice %arg3[%dma_start3A_572, %dma_start3A_577] : memref<10x16384xi32, #tpu.memory_space<hbm>> -> memref<1x16384xi32, #tpu.memory_space<hbm>>
        %dma_start3A_579 = tpu.memref_squeeze %dma_start3A_578 : memref<1x16384xi32, #tpu.memory_space<hbm>> -> memref<16384xi32, #tpu.memory_space<hbm>>
        %dma_start3A_580 = tpu.memref_slice %dma_start3A_579[%mul3A_2] : memref<16384xi32, #tpu.memory_space<hbm>> -> memref<1024xi32, #tpu.memory_space<hbm>>
        tpu.enqueue_dma source(%dma_start3A_580 : memref<1024xi32, #tpu.memory_space<hbm>>) target(%arg7 : memref<1024xi32, #tpu.memory_space<vmem>>) target_semaphore(%arg13 : memref<!tpu.dma_semaphore, #tpu.memory_space<semaphore_mem>>)
        %dma_wait3A_581 = arith.constant 0 : i32
        %dma_wait3A_582 = arith.constant 0 : i32
        %dma_wait3A_583 = tpu.memref_slice %arg4[%dma_wait3A_581, %dma_wait3A_582] : memref<640x16384xf32, #tpu.memory_space<hbm>> -> memref<1x16384xf32, #tpu.memory_space<hbm>>
        %dma_wait3A_584 = tpu.memref_squeeze %dma_wait3A_583 : memref<1x16384xf32, #tpu.memory_space<hbm>> -> memref<16384xf32, #tpu.memory_space<hbm>>
        %dma_wait3A_585 = arith.constant 0 : i32
        %dma_wait3A_586 = tpu.memref_slice %dma_wait3A_584[%dma_wait3A_585] : memref<16384xf32, #tpu.memory_space<hbm>> -> memref<1024xf32, #tpu.memory_space<hbm>>
        %dma_wait3A_587 = arith.constant 0 : i32
        %dma_wait3A_588 = tpu.memref_slice %arg4[%dma_wait3A_581, %dma_wait3A_587] : memref<640x16384xf32, #tpu.memory_space<hbm>> -> memref<1x16384xf32, #tpu.memory_space<hbm>>
        %dma_wait3A_589 = tpu.memref_squeeze %dma_wait3A_588 : memref<1x16384xf32, #tpu.memory_space<hbm>> -> memref<16384xf32, #tpu.memory_space<hbm>>
        %dma_wait3A_590 = arith.constant 0 : i32
        %dma_wait3A_591 = tpu.memref_slice %dma_wait3A_589[%dma_wait3A_590] : memref<16384xf32, #tpu.memory_space<hbm>> -> memref<1024xf32, #tpu.memory_space<hbm>>
        tpu.wait_dma2 semaphore(%arg15 : memref<!tpu.dma_semaphore, #tpu.memory_space<semaphore_mem>>) src(%dma_wait3A_591 : memref<1024xf32, #tpu.memory_space<hbm>>) dst(%arg10 : memref<1024xf32, #tpu.memory_space<vmem>>)
        %add3A_592 = arith.constant 576 : i32
        %add3A_593 = arith.addi %add3A_592, %add3A : i32
        %dma_start3A_594 = arith.constant 0 : i32
        %dma_start3A_595 = tpu.memref_slice %arg4[%add3A_593, %dma_start3A_594] : memref<640x16384xf32, #tpu.memory_space<hbm>> -> memref<1x16384xf32, #tpu.memory_space<hbm>>
        %dma_start3A_596 = tpu.memref_squeeze %dma_start3A_595 : memref<1x16384xf32, #tpu.memory_space<hbm>> -> memref<16384xf32, #tpu.memory_space<hbm>>
        %dma_start3A_597 = tpu.memref_slice %dma_start3A_596[%mul3A_2] : memref<16384xf32, #tpu.memory_space<hbm>> -> memref<1024xf32, #tpu.memory_space<hbm>>
        %dma_start3A_598 = arith.constant 0 : i32
        %dma_start3A_599 = tpu.memref_slice %arg4[%add3A_593, %dma_start3A_598] : memref<640x16384xf32, #tpu.memory_space<hbm>> -> memref<1x16384xf32, #tpu.memory_space<hbm>>
        %dma_start3A_600 = tpu.memref_squeeze %dma_start3A_599 : memref<1x16384xf32, #tpu.memory_space<hbm>> -> memref<16384xf32, #tpu.memory_space<hbm>>
        %dma_start3A_601 = tpu.memref_slice %dma_start3A_600[%mul3A_2] : memref<16384xf32, #tpu.memory_space<hbm>> -> memref<1024xf32, #tpu.memory_space<hbm>>
        tpu.enqueue_dma source(%arg10 : memref<1024xf32, #tpu.memory_space<vmem>>) target(%dma_start3A_601 : memref<1024xf32, #tpu.memory_space<hbm>>) target_semaphore(%arg17 : memref<!tpu.dma_semaphore, #tpu.memory_space<semaphore_mem>>)
        %barrier3A_602 = arith.constant 0 : index
        tpu.barrier barrier_id(%barrier3A_602)
      } else {
      }
    }
    %scan3A_17 = arith.constant 32 : i32
    %dma_wait3A = arith.constant 0 : i32
    %dma_wait3A_18 = arith.constant 0 : i32
    %dma_wait3A_19 = tpu.memref_slice %arg3[%dma_wait3A, %dma_wait3A_18] : memref<10x16384xi32, #tpu.memory_space<hbm>> -> memref<1x16384xi32, #tpu.memory_space<hbm>>
    %dma_wait3A_20 = tpu.memref_squeeze %dma_wait3A_19 : memref<1x16384xi32, #tpu.memory_space<hbm>> -> memref<16384xi32, #tpu.memory_space<hbm>>
    %dma_wait3A_21 = arith.constant 0 : i32
    %dma_wait3A_22 = tpu.memref_slice %dma_wait3A_20[%dma_wait3A_21] : memref<16384xi32, #tpu.memory_space<hbm>> -> memref<1024xi32, #tpu.memory_space<hbm>>
    %dma_wait3A_23 = arith.constant 0 : i32
    %dma_wait3A_24 = tpu.memref_slice %arg3[%dma_wait3A, %dma_wait3A_23] : memref<10x16384xi32, #tpu.memory_space<hbm>> -> memref<1x16384xi32, #tpu.memory_space<hbm>>
    %dma_wait3A_25 = tpu.memref_squeeze %dma_wait3A_24 : memref<1x16384xi32, #tpu.memory_space<hbm>> -> memref<16384xi32, #tpu.memory_space<hbm>>
    %dma_wait3A_26 = arith.constant 0 : i32
    %dma_wait3A_27 = tpu.memref_slice %dma_wait3A_25[%dma_wait3A_26] : memref<16384xi32, #tpu.memory_space<hbm>> -> memref<1024xi32, #tpu.memory_space<hbm>>
    tpu.wait_dma2 semaphore(%arg13 : memref<!tpu.dma_semaphore, #tpu.memory_space<semaphore_mem>>) src(%dma_wait3A_27 : memref<1024xi32, #tpu.memory_space<hbm>>) dst(%arg7 : memref<1024xi32, #tpu.memory_space<vmem>>)
    %dma_wait3A_28 = arith.constant 0 : i32
    %dma_wait3A_29 = arith.constant 0 : i32
    %dma_wait3A_30 = tpu.memref_slice %arg4[%dma_wait3A_28, %dma_wait3A_29] : memref<640x16384xf32, #tpu.memory_space<hbm>> -> memref<1x16384xf32, #tpu.memory_space<hbm>>
    %dma_wait3A_31 = tpu.memref_squeeze %dma_wait3A_30 : memref<1x16384xf32, #tpu.memory_space<hbm>> -> memref<16384xf32, #tpu.memory_space<hbm>>
    %dma_wait3A_32 = arith.constant 0 : i32
    %dma_wait3A_33 = tpu.memref_slice %dma_wait3A_31[%dma_wait3A_32] : memref<16384xf32, #tpu.memory_space<hbm>> -> memref<1024xf32, #tpu.memory_space<hbm>>
    %dma_wait3A_34 = arith.constant 0 : i32
    %dma_wait3A_35 = tpu.memref_slice %arg4[%dma_wait3A_28, %dma_wait3A_34] : memref<640x16384xf32, #tpu.memory_space<hbm>> -> memref<1x16384xf32, #tpu.memory_space<hbm>>
    %dma_wait3A_36 = tpu.memref_squeeze %dma_wait3A_35 : memref<1x16384xf32, #tpu.memory_space<hbm>> -> memref<16384xf32, #tpu.memory_space<hbm>>
    %dma_wait3A_37 = arith.constant 0 : i32
    %dma_wait3A_38 = tpu.memref_slice %dma_wait3A_36[%dma_wait3A_37] : memref<16384xf32, #tpu.memory_space<hbm>> -> memref<1024xf32, #tpu.memory_space<hbm>>
    tpu.wait_dma2 semaphore(%arg16 : memref<!tpu.dma_semaphore, #tpu.memory_space<semaphore_mem>>) src(%dma_wait3A_38 : memref<1024xf32, #tpu.memory_space<hbm>>) dst(%arg9 : memref<1024xf32, #tpu.memory_space<vmem>>)
    %dma_wait3A_39 = arith.constant 0 : i32
    %dma_wait3A_40 = arith.constant 0 : i32
    %dma_wait3A_41 = tpu.memref_slice %arg4[%dma_wait3A_39, %dma_wait3A_40] : memref<640x16384xf32, #tpu.memory_space<hbm>> -> memref<1x16384xf32, #tpu.memory_space<hbm>>
    %dma_wait3A_42 = tpu.memref_squeeze %dma_wait3A_41 : memref<1x16384xf32, #tpu.memory_space<hbm>> -> memref<16384xf32, #tpu.memory_space<hbm>>
    %dma_wait3A_43 = arith.constant 0 : i32
    %dma_wait3A_44 = tpu.memref_slice %dma_wait3A_42[%dma_wait3A_43] : memref<16384xf32, #tpu.memory_space<hbm>> -> memref<1024xf32, #tpu.memory_space<hbm>>
    %dma_wait3A_45 = arith.constant 0 : i32
    %dma_wait3A_46 = tpu.memref_slice %arg4[%dma_wait3A_39, %dma_wait3A_45] : memref<640x16384xf32, #tpu.memory_space<hbm>> -> memref<1x16384xf32, #tpu.memory_space<hbm>>
    %dma_wait3A_47 = tpu.memref_squeeze %dma_wait3A_46 : memref<1x16384xf32, #tpu.memory_space<hbm>> -> memref<16384xf32, #tpu.memory_space<hbm>>
    %dma_wait3A_48 = arith.constant 0 : i32
    %dma_wait3A_49 = tpu.memref_slice %dma_wait3A_47[%dma_wait3A_48] : memref<16384xf32, #tpu.memory_space<hbm>> -> memref<1024xf32, #tpu.memory_space<hbm>>
    tpu.wait_dma2 semaphore(%arg17 : memref<!tpu.dma_semaphore, #tpu.memory_space<semaphore_mem>>) src(%dma_wait3A_49 : memref<1024xf32, #tpu.memory_space<hbm>>) dst(%arg10 : memref<1024xf32, #tpu.memory_space<vmem>>)
    return
  }
}

</mosaic_0001>

<sc_bundles>
// kernel: kernel.3.cloned.1.call-start
scs
__scs_entry_jumppad:
0x0: {  	(pc) =	sbr.rel $0x88, $3  }
0x1: {  	(tag) =	ssettag $0x0;
	lr =	simm.s32 $0x1  }
0x2: {  	[smem:$0x3F9F] =	sst lr;
	_ =	strace $0xD0000000  }
0x3: {  	_ = 	snop  }
0x4: {  	_ = 	snop  }
0x5: {  	_ = 	snop  }
0x6: {  	_ = 	snop  }
0x7: {  	_ = 	snop  }
__scs_overlays_trampoline_lowered:
0x8: {  	[smem:$0x3FAE] =	sst s0  }
0x9: {  	[smem:$0x3FAF] =	sst s1  }
0xa: {  	[smem:$0x3FB0] =	sst s2  }
0xb: {  	[smem:$0x3FB1] =	sst s3  }
0xc: {  	[smem:$0x3FB2] =	sst s4  }
0xd: {  	[smem:$0x3FB3] =	sst s5  }
0xe: {  	[smem:$0x3FB4] =	sst s6  }
0xf: {  	[smem:$0x3FB5] =	sst s7  }
0x10: {  	[smem:$0x3FB6] =	sst s8  }
0x11: {  	[smem:$0x3FB7] =	sst s9;
	s0 =	simm.s32 @!p0 $0x0  }
0x12: {  	s1 =	sld [smem:$0x3F9D];
	s0 =	simm.s32 @p0 $0x1  }
0x13: {  	[smem:$0x3FB8] =	sst s0;
	s0 =	simm.s32 @!p1 $0x0  }
0x14: {  	s2 =	sld [smem:$0x3F9C];
	s0 =	simm.s32 @p1 $0x1  }
0x15: {  	[smem:$0x3FB9] =	sst s0;
	s0 =	simm.s32 @!p2 $0x0  }
0x16: {  	s3 =	sld [smem:$0x3FDB];
	s0 =	simm.s32 @p2 $0x1  }
0x17: {  	s4 =	simm.s32 $0x1BF5;
	[smem:$0x3FBB] =	sst s0  }
0x18: {  	s0 =	sld [smem:$0x3F9E];
	_ =	swait.ge [sflag:s4], $0x0  }
0x19: {  	s7 =	sld [smem:$0x3F9F]  }
0x1a: {  	s8 =	sadd.s32 $0xFFFFE003, lr  }
0x1b: {  	s9 =	sadd.s32 $0xFFFFFEF7, lr;
	s5 =	simm.s32 $0xFFFFFFFF;
	p2 =	slt.u32 s8, $0xFFFFF086  }
0x1c: {  	p1 =	slt.u32 s9, $0xF7A;
	s5 =	simm.s32 @!p2 $0x0  }
0x1d: {  	s5 =	simm.s32 @p1 $0x1;
	p0 =	seq.s32 s7, s2  }
0x1e: {  	s7 =	smul.u32 @!p0 $0xF7A, s2;
	p2 =	seq.s32 @!p0 s5, $0x0  }
0x1f: {  	s9 =	smul.u32 $0xF7A, s1;
	s8 =	simm.s32 @!p0 $0x1BF5;
	p2 =	por !p2, p0  }
0x20: {  	[sflag:s8] =	ssyncset.s32 @!p0 $0xFFFFF086;
	s6 =	sadd.s32 @!p0 s3, s7;
	s7 =	simm.s32 @!p0 $0x108  }
0x21: {  	s3 =	sadd.s32 s3, s9;
	s6 =	sadd.s32 @!p0 $0x88, s6;
	s7 =	simm.s32 @p2 $0x1082  }
0x22: {  	[simem:s7], [sflag:s8] =	dma.local @!p0 [hbm:s6], $0xF7A  }
0x23: {  	s9 =	sor.u32 $0xD0000000, s2;
	s6 =	simm.s32 $0x108;
	_ =	swait.ge @!p0 [sflag:s8], $0x0  }
0x24: {  	s3 =	sadd.s32 $0x88, s3;
	s6 =	simm.s32 @!p1 $0x1082;
	[sflag:s4] =	ssyncset.s32 $0xFFFFF086  }
0x25: {  	[simem:s6], [sflag:s4] =	dma.local [hbm:s3], $0xF7A  }
0x26: {  	[smem:$0x3F9F] =	sst s1;
	(tag) =	ssettag s2;
	_ =	strace s9  }
0x27: {  	s1 =	sld [smem:$0x3FAF]  }
0x28: {  	s2 =	sld [smem:$0x3FB0]  }
0x29: {  	s4 =	sld [smem:$0x3FB2]  }
0x2a: {  	p0 =	seq.s32 s5, $0x0;
	s5 =	sld [smem:$0x3FB3]  }
0x2b: {  	s6 =	sld [smem:$0x3FB4]  }
0x2c: {  	s7 =	sld [smem:$0x3FB5]  }
0x2d: {  	s3 =	simm.s32 $0x108;
	s8 =	sld [smem:$0x3FB6]  }
0x2e: {  	s3 =	simm.s32 @!p0 $0x1082;
	s9 =	sld [smem:$0x3FB7]  }
0x2f: {  	lr =	sadd.s32 s0, s3;
	s0 =	sld [smem:$0x3FAE]  }
0x30: {  	s3 =	sld [smem:$0x3FB1]  }
0x31: {  	[smem:$0x3FBA] =	sst s10  }
0x32: {  	s10 =	sld [smem:$0x3FB8];
	_ =	sdelay $0x3  }
0x33: {  	p0 =	seq.s32 s10, $0x1;
	s10 =	sld [smem:$0x3FBA];
	_ =	sdelay $0x3  }
0x34: {  	[smem:$0x3FBA] =	sst s10  }
0x35: {  	s10 =	sld [smem:$0x3FB9];
	_ =	sdelay $0x3  }
0x36: {  	p1 =	seq.s32 s10, $0x1;
	s10 =	sld [smem:$0x3FBA];
	_ =	sdelay $0x3  }
0x37: {  	[smem:$0x3FBA] =	sst s10  }
0x38: {  	s10 =	sld [smem:$0x3FBB]  }
0x39: {  	_ = 	snop;
	(pc) =	sbr.ind lr, $3  }
0x3a: {  	_ = 	snop  }
0x3b: {  	_ = 	snop  }
0x3c: {  	p2 =	seq.s32 s10, $0x1;
	s10 =	sld [smem:$0x3FBA]  }
0x3d: {  	_ =	shalt  }
0x3e: {  	_ =	shalt  }
0x3f: {  	_ =	shalt  }
0x40: {  	_ =	shalt  }
0x41: {  	_ =	shalt  }
0x42: {  	_ =	shalt  }
0x43: {  	_ =	shalt  }
0x44: {  	_ =	shalt  }
0x45: {  	_ =	shalt  }
0x46: {  	_ =	shalt  }
0x47: {  	_ =	shalt  }
0x48: {  	_ =	shalt  }
0x49: {  	_ =	shalt  }
0x4a: {  	_ =	shalt  }
0x4b: {  	_ =	shalt  }
0x4c: {  	_ =	shalt  }
0x4d: {  	_ =	shalt  }
0x4e: {  	_ =	shalt  }
0x4f: {  	_ =	shalt  }
0x50: {  	_ =	shalt  }
0x51: {  	_ =	shalt  }
0x52: {  	_ =	shalt  }
0x53: {  	_ =	shalt  }
0x54: {  	_ =	shalt  }
0x55: {  	_ =	shalt  }
0x56: {  	_ =	shalt  }
0x57: {  	_ =	shalt  }
0x58: {  	_ =	shalt  }
0x59: {  	_ =	shalt  }
0x5a: {  	_ =	shalt  }
0x5b: {  	_ =	shalt  }
0x5c: {  	_ =	shalt  }
0x5d: {  	_ =	shalt  }
0x5e: {  	_ =	shalt  }
0x5f: {  	_ =	shalt  }
0x60: {  	_ =	shalt  }
0x61: {  	_ =	shalt  }
0x62: {  	_ =	shalt  }
0x63: {  	_ =	shalt  }
0x64: {  	_ =	shalt  }
0x65: {  	_ =	shalt  }
0x66: {  	_ =	shalt  }
0x67: {  	_ =	shalt  }
0x68: {  	_ =	shalt  }
0x69: {  	_ =	shalt  }
0x6a: {  	_ =	shalt  }
0x6b: {  	_ =	shalt  }
0x6c: {  	_ =	shalt  }
0x6d: {  	_ =	shalt  }
0x6e: {  	_ =	shalt  }
0x6f: {  	_ =	shalt  }
0x70: {  	_ =	shalt  }
0x71: {  	_ =	shalt  }
0x72: {  	_ =	shalt  }
0x73: {  	_ =	shalt  }
0x74: {  	_ =	shalt  }
0x75: {  	_ =	shalt  }
0x76: {  	_ =	shalt  }
0x77: {  	_ =	shalt  }
0x78: {  	_ =	shalt  }
0x79: {  	_ =	shalt  }
0x7a: {  	_ =	shalt  }
0x7b: {  	_ =	shalt  }
0x7c: {  	_ =	shalt  }
0x7d: {  	_ =	shalt  }
0x7e: {  	_ =	shalt  }
0x7f: {  	_ =	shalt  }
0x80: {  	_ =	shalt  }
0x81: {  	_ =	shalt  }
0x82: {  	_ =	shalt  }
0x83: {  	_ =	shalt  }
0x84: {  	_ =	shalt  }
0x85: {  	_ =	shalt  }
0x86: {  	_ =	shalt  }
0x87: {  	_ =	shalt  }
.Lfunc_end0:
.L_simem_size_0:
called_computation_lowered:
.L_overlay_start_0:
0x88: {  	s2 =	sld [smem:$0x3FD9]  }
0x89: {  	s3 =	sld [smem:$0x3FFE];
	_ =	sdelay $0x1  }
0x8a: {  	s1 =	srdreg.scid  }
0x8b: {  	s0 =	sand.u32 $0x1, s1  }
0x8c: {  	s17 =	sshll.u32 s0, $0xA;
	s2 =	sadd.s32 s3, s2  }
0x8d: {  	s2 =	sadd.s32 s2, s17  }
0x8e: {  	[smem:$0x3FC6] =	sst s2  }
0x8f: {  	_ = 	snop  }
0x90: {  	s2 =	sld [smem:$0x3FC8]  }
0x91: {  	s18 =	sld [smem:$0x3FD0];
	(tm) =	ssettm $0x1  }
0x92: {  	s4 =	sld [smem:$0x3FFB];
	_ =	sdelay $0x3  }
0x93: {  	_ =	strace s4  }
0x94: {  	s4 =	sld [smem:$0x3FFC];
	_ =	sdelay $0x3  }
0x95: {  	_ =	strace s4  }
0x96: {  	s4 =	sld [smem:$0x3FFD];
	_ =	sdelay $0x3  }
0x97: {  	_ =	strace s4  }
0x98: {  	_ =	strace $0x8FFFFFFF  }
0x99: {  	s19 =	sld [smem:$0x3FDB];
	_ =	sdelay $0x1  }
0x9a: {  	s5 =	simm.s32 $_scs_section_size  }
0x9b: {  	s6 =	simm.s32 $_size__tile_overlayer_lowered;
	s7 =	simm.s32 $_tile_overlayer_lowered  }
0x9c: {  	s22 =	simm.s32 $0x1BFF;
	s21 =	sshll.u32 s7, $0x1;
	s4 =	sadd.s32 s5, s19  }
0x9d: {  	s8 =	simm.s32 $0x0;
	s20 =	sshll.u32 s6, $0x1;
	s6 =	sadd.s32 s21, s4  }
0x9e: {  	[timem:s8], [sflag:s22] =	dma.local [hbm:s6], s20  }
0x9f: {  	_ =	swait.ge [sflag:s22], s20  }
0xa0: {  	s5 =	ssub.s32 $0x0, s20;
	[sflag:s22] =	ssyncset.done $0x0  }
0xa1: {  	[sflag:s22] =	ssyncadd.s32 s5;
	_ =	sdelay $0x1  }
0xa2: {  	s23 =	simm.s32 $0x1B8B  }
0xa3: {  	_ =	swait.ge [sflag:s23], $0x1  }
0xa4: {  	[sflag:s23] =	ssyncset.done $0x0  }
0xa5: {  	s25 =	simm.s32 $0x1B8E;
	s24 =	sld [smem:$0x3FFE];
	[sflag:s23] =	ssyncadd.s32 $0xFFFFFFFF  }
0xa6: {  	s26 =	simm.s32 $execute0_lowered;
	[smem:$0x3FD2] =	sst s25  }
0xa7: {  	s6 =	sshll.u32 s26, $0x1;
	_ =	strace $0x80000046;
	[dreg:$0x1] =	wrdreg $0xFFFFFFFF  }
0xa8: {  	s28 =	simm.s32 $_size_execute0_lowered;
	s4 =	sadd.s32 s4, s6;
	[dreg:$0x0] =	wrdreg $0x0  }
0xa9: {  	s6 =	sshll.u32 s28, $0x1;
	[dreg:$0x2] =	wrdreg s4  }
0xaa: {  	[dreg:$0x3] =	wrdreg s6  }
0xab: {  	[dreg:$0x4] =	wrdreg $0xC0  }
0xac: {  	_ =	task [dreg:s8], $0x5FFFF  }
0xad: {  	[dreg:$0x1] =	wrdreg $0xFFFFFFFF  }
0xae: {  	[dreg:$0x0] =	wrdreg $0x60  }
0xaf: {  	[dreg:$0x2] =	wrdreg s2  }
0xb0: {  	[dreg:$0x3] =	wrdreg s24  }
0xb1: {  	[dreg:$0x4] =	wrdreg s18  }
0xb2: {  	[dreg:$0x5] =	wrdreg $0x0  }
0xb3: {  	[dreg:$0x6] =	wrdreg $0xF4280  }
0xb4: {  	[dreg:$0x7] =	wrdreg $0x9  }
0xb5: {  	_ =	task.clear_ibuf [dreg:s8], $0x8FFFF;
	_ =	strace $0x90000046  }
0xb6: {  	s29 =	simm.s32 $0x9;
	_ =	strace $0x80000048  }
0xb7: {  	_ =	swait.ge [sflag:s29], $0x1  }
0xb8: {  	[sflag:s29] =	ssyncadd.s32 $0xFFFFFFFF  }
0xb9: {  	_ =	strace $0x90000048  }
0xba: {  	_ =	sfence  }
0xbb: {  	s30 =	sld [smem:$0x0];
	_ =	sdelay $0x2  }
0xbc: {  	s31 =	sshll.u32 s1, $0xD;
	s1 =	sshrl.u32 s1, $0x2  }
0xbd: {  	s3 =	sand.u32 $0x4000, s31;
	s1 =	sadd.s32 s1, s30  }
0xbe: {  	s0 =	sor.u32 s3, s0;
	s1 =	sshll.u32 s1, $0x11  }
0xbf: {  	s0 =	sor.u32 s1, s0  }
0xc0: {  	s0 =	sadd.s32 $0x8F2B, s0  }
0xc1: {  	[sflag:s0] =	ssyncadd.remote.s32 $0x1  }
0xc2: {  	_ =	sfence.sel $0xFFFF  }
0xc3: {  	[dreg:$0x0] =	wrdreg $0xFFFFFFFF;
	(pc) =	sbr.abs _section_cstart, $3  }
0xc4: {  	[dreg:$0x1] =	wrdreg $0xFFFFFFFF  }
0xc5: {  	_ =	task.clear_ibuf [dreg:s8], $0x2FFFF;
	_ =	strace $0x9FFFFFFF  }
0xc6: {  	(tm) =	ssettm $0x7FFFFFFF  }
0xc7: {  	_ =	shalt  }
tec
execute0_lowered:
.L_overlay_start_1:
0x0: {  	(tag) =	ssettag $0x1  }
0x1: {  	s8 =	rddreg [dreg:$0x0]  }
0x2: {  	s0 =	rddreg [dreg:$0x1]  }
0x3: {  	s12 =	rddreg [dreg:$0x2];
	s13 =	simm.s32 $0x0;
	s1 =	srdreg.scid  }
0x4: {  	s2 =	stileid.u32;
	[smem:$0x7FF] =	sst s13;
	s1 =	sand.u32 $0x1, s1  }
0x5: {  	s6 =	sshll.u32 s2, $0xA;
	s25 =	sadd.s32 $0x410, s0;
	s26 =	sadd.s32 $0x420, s0  }
0x6: {  	s14 =	sadd.s32 $0x20000, s12;
	s15 =	sadd.s32 $0x430, s0;
	s16 =	sadd.s32 $0x40000, s12  }
0x7: {  	s17 =	sadd.s32 $0x440, s0;
	s18 =	sadd.s32 $0x60000, s12;
	s19 =	sadd.s32 $0x450, s0  }
0x8: {  	s9 =	sadd.s32 $0x80000, s12;
	s20 =	sadd.s32 $0x460, s0;
	s10 =	sadd.s32 $0x470, s0  }
0x9: {  	s11 =	sadd.s32 $0x4400, s0;
	p0 =	sne.s32 s2, $0x0;
	p1 =	seq.s32 s2, $0x0  }
0xa: {  	s28 =	sadd.s32 $0xC0000, s12;
	_ =	strace $0x80000047;
	[dreg:$0xa] =	wrdreg s25  }
0xb: {  	s29 =	sadd.s32 $0xE0000, s12;
	s30 =	sadd.s32 $0x100000, s12;
	[dreg:$0xb] =	wrdreg s14  }
0xc: {  	s31 =	sadd.s32 $0x120000, s12;
	s2 =	simm.s32 $0x1EC50;
	[dreg:$0xc] =	wrdreg s16  }
0xd: {  	s3 =	ssub.s32 $0x2, s1;
	s5 =	smul.u32 $0x3D0A00, s1;
	[dreg:$0xd] =	wrdreg s18  }
0xe: {  	s7 =	sadd.s32 s6, s0;
	s22 =	sshll.u32 s1, $0x5;
	[dreg:$0xe] =	wrdreg s9  }
0xf: {  	s0 =	sadd.s32 $0x4410, s0;
	s21 =	sshll.u32 s1, $0xC;
	s1 =	sshll.u32 s1, $0x10  }
0x10: {  	s25 =	sadd.s32 s6, s17;
	s16 =	simm.s32 $0x6;
	[dreg:$0x7] =	wrdreg s22  }
0x11: {  	s17 =	simm.s32 $0x7;
	s4 =	sshrl.u32 s3, $0x1;
	[dreg:$0x10] =	wrdreg s1  }
0x12: {  	s24 =	sadd.s32 $0x400, s7;
	s22 =	sor.u32 $0x80, s21;
	[dreg:$0x14] =	wrdreg s25  }
0x13: {  	s25 =	sadd.s32 s6, s0;
	s0 =	simm.s32 $0x80;
	s1 =	simm.s32 $0x1F050  }
0x14: {  	s7 =	simm.s32 $0x5;
	s3 =	ssub.s32 s3, s4;
	[dreg:$0x9] =	wrdreg s24  }
0x15: {  	s23 =	sadd.s32 s8, s5;
	[dreg:$0x11] =	wrdreg s22;
	s24 =	sadd.s32 s6, s15  }
0x16: {  	s22 =	sadd.s32 s6, s20;
	s8 =	simm.s32 $0x400;
	[dreg:$0x8] =	wrdreg s23  }
.Ltmp0:
0x17: {  	s3 =	smax.u32 s3, $0x1;
	[dreg:$0x13] =	wrdreg s24;
	(pc) =	sbr.rel .LBB2_1-.Ltmp0, $4  }
0x18: {  	s15 =	simm.s32 $0x1E850;
	s23 =	sadd.s32 s6, s26;
	[dreg:$0xf] =	wrdreg s3  }
0x19: {  	s5 =	simm.s32 $0x3;
	s26 =	sadd.s32 s6, s19;
	[dreg:$0x12] =	wrdreg s23  }
0x1a: {  	s4 =	simm.s32 $0x4;
	s24 =	sadd.s32 s6, s11;
	[dreg:$0x15] =	wrdreg s26  }
0x1b: {  	s23 =	sadd.s32 s6, s10;
	s26 =	sadd.s32 $0xA0000, s12;
	s3 =	simm.s32 $0x1F450  }
.LBB2_7:
0x1c: {  	_ =	swait.ge [sflag:s5], $0x400  }
0x1d: {  	[sflag:s5] =	ssyncset.done $0x0  }
0x1e: {  	[sflag:s5] =	ssyncadd.s32 $0xFFFFFC00  }
0x1f: {  	_ =	swait.ge [sflag:s16], $0x400  }
0x20: {  	[sflag:s16] =	ssyncset.done $0x0  }
0x21: {  	[sflag:s16] =	ssyncadd.s32 $0xFFFFFC00  }
0x22: {  	_ =	swait.ge [sflag:s17], $0x400  }
0x23: {  	s13 =	rddreg [dreg:$0x6]  }
0x24: {  	s9 =	rddreg [dreg:$0xf];
	s13 =	sadd.s32 $0x1, s13  }
0x25: {  	p2 =	sne.s32 s13, s9  }
.Ltmp1:
0x26: {  	_ = 	snop;
	(pc) =	sbr.rel @!p2 .LBB2_8-.Ltmp1, $3  }
0x27: {  	_ =	sdelay $0x1  }
0x28: {  	[sflag:s17] =	ssyncset.done $0x0  }
0x29: {  	[sflag:s17] =	ssyncadd.s32 $0xFFFFFC00  }
.LBB2_1:
0x2a: {  	[dreg:$0x6] =	wrdreg s13  }
0x2b: {  	s9 =	rddreg [dreg:$0x3];
	s10 =	simm.s32 @!p0 $0x1  }
0x2c: {  	s11 =	simm.s32 @!p0 $0x10;
	s12 =	simm.s32 @!p0 $0x80;
	s13 =	simm.s32 @!p0 $0x1C01  }
.Ltmp2:
0x2d: {  	s14 =	rddreg [dreg:$0x8];
	s9 =	sshrl.u32 @!p0 s9, $0x3;
	(pc) =	sbr.rel .LBB2_2-.Ltmp2, $4  }
0x2e: {  	[spmem:s9@s11], [sflag:s13] =	dma.strided @!p0 [hbm:s14@s12], $0x1E850, s10, $0x10   }
0x2f: {  	s11 =	simm.s32 $0x0;
	s9 =	rddreg [dreg:$0x9]  }
0x30: {  	s12 =	simm.s32 $0x0;
	s13 =	simm.s32 $0x0;
	s10 =	rddreg [dreg:$0x10]  }
0x31: {  	[tilespmem:s15], [sflag:$0x3] =	stream.strided.gather [hbm4b:s9+s0], $0x400, s8, s0, $0x38;
	[tilespmem:$0x1F850] =	vst v63  }
.LBB2_4:
0x32: {  	p2 =	seq.s32 @p1 s13, $0x1F  }
0x33: {  	s9 =	rddreg [dreg:$0x7];
	p2 =	por p2, !p1  }
0x34: {  	s14 =	simm.s32 @p1 $0x2;
	s9 =	sadd.s32 @!p2 s13, s9  }
0x35: {  	_ =	swait.ge @p1 [sflag:s14], $0x1E850;
	s9 =	sadd.s32 @!p2 $0x1, s9  }
0x36: {  	s18 =	rddreg [dreg:$0x11];
	s9 =	sshrl.u32 @!p2 s9, $0x3  }
0x37: {  	[sflag:s14] =	ssyncset.done @p1 $0x0;
	s18 =	sadd.s32 @!p2 s11, s18;
	s9 =	smul.u32 @!p2 $0x7A1400, s9  }
0x38: {  	[sflag:s14] =	ssyncadd.s32 @p1 $0xFFFE17B0;
	s18 =	sand.u32 @!p2 $0x300, s18  }
0x39: {  	[bflag:$0x0] =	sbarrier.arrive @p1 $0xFFFF;
	s9 =	sor.u32 @!p2 s18, s9  }
0x3a: {  	s19 =	simm.s32 @!p2 $0x10;
	s14 =	rddreg [dreg:$0x0];
	s9 =	sshrl.u32 @!p2 s9, $0x3  }
0x3b: {  	s20 =	simm.s32 @!p2 $0x80;
	s9 =	sadd.s32 @!p2 s14, s9;
	s14 =	rddreg [dreg:$0x3]  }
0x3c: {  	s21 =	simm.s32 @!p2 $0x1C01;
	s18 =	simm.s32 @!p2 $0x1;
	s14 =	sshrl.u32 @!p2 s14, $0x3  }
0x3d: {  	[spmem:s14@s19], [sflag:s21] =	dma.strided @!p2 [hbm:s9@s20], $0x1E850, s18, $0x10   }
0x3e: {  	[bflag:$0x0] =	sbarrier.arrive @!p1 $0xFFFF  }
0x3f: {  	_ =	swait.ge [sflag:s16], $0x400  }
0x40: {  	[sflag:s16] =	ssyncset.done $0x0  }
0x41: {  	[sflag:s16] =	ssyncadd.s32 $0xFFFFFC00  }
0x42: {  	_ =	swait.ge [sflag:s5], $0x400  }
0x43: {  	[sflag:s5] =	ssyncset.done $0x0  }
0x44: {  	s21 =	rddreg [dreg:$0xa];
	[sflag:s5] =	ssyncadd.s32 $0xFFFFFC00  }
0x45: {  	s14 =	rddreg [dreg:$0x4]  }
0x46: {  	[tilespmem:s1], [sflag:$0x5] =	stream.indirect.gather [spmem:s14], $0x1, s15, s8, $0xb8;
	[tilespmem:$0x1F850] =	vst v63  }
0x47: {  	s9 =	sadd.s32 s6, s21  }
0x48: {  	[tilespmem:s2], [sflag:$0x4] =	stream.strided.gather [hbm4b:s9+s0], $0x400, s8, s0, $0x38;
	[tilespmem:$0x1F850] =	vst v63  }
0x49: {  	s9 =	simm.s32 $0x70  }
.LBB2_5:
0x4a: {  	_ =	swait.ge [sflag:s17], $0x400  }
0x4b: {  	[sflag:s17] =	ssyncset.done $0x0  }
0x4c: {  	[sflag:s17] =	ssyncadd.s32 $0xFFFFFC00  }
.LBB2_6:
0x4d: {  	_ =	swait.ge [sflag:s4], $0x400  }
0x4e: {  	[sflag:s4] =	ssyncset.done $0x0  }
0x4f: {  	[sflag:s4] =	ssyncadd.s32 $0xFFFFFC00  }
0x50: {  	[tilespmem:s3], [sflag:$0x5] =	stream.indirect.gather [spmem:s14], $0x1, s2, s8, $0xb8;
	[tilespmem:$0x1F850] =	vst v63  }
0x51: {  	_ =	swait.ge [sflag:s7], $0x400  }
0x52: {  	s18 =	sand.u32 $0x1C000, s10;
	s9 =	sand.u32 s9, s12;
	[sflag:s7] =	ssyncset.done $0x0  }
0x53: {  	s9 =	sor.u32 s9, s18;
	s20 =	rddreg [dreg:$0x2]  }
0x54: {  	s18 =	sadd.s32 s20, s9  }
0x55: {  	[sflag:s7] =	ssyncadd.s32 $0xFFFFFC00;
	s18 =	sadd.s32 s6, s18  }
0x56: {  	[hbm4b:s18+s0] =	stream.strided.scatter [tilespmem:s1], [sflag:$0x6], $0x400, s8, s0, $0x38;
	[tilespmem:$0x1F850] =	vst v63  }
0x57: {  	s21 =	rddreg [dreg:$0x12]  }
0x58: {  	[tilespmem:s15], [sflag:$0x3] =	stream.strided.gather [hbm4b:s21+s0], $0x400, s8, s0, $0x38;
	[tilespmem:$0x1F850] =	vst v63  }
0x59: {  	_ =	swait.ge [sflag:s16], $0x400  }
0x5a: {  	[sflag:s16] =	ssyncset.done $0x0  }
0x5b: {  	[sflag:s16] =	ssyncadd.s32 $0xFFFFFC00  }
0x5c: {  	_ =	swait.ge [sflag:s5], $0x400  }
0x5d: {  	[sflag:s5] =	ssyncset.done $0x0  }
0x5e: {  	[sflag:s5] =	ssyncadd.s32 $0xFFFFFC00  }
0x5f: {  	[tilespmem:s1], [sflag:$0x5] =	stream.indirect.gather [spmem:s14], $0x1, s15, s8, $0xb8;
	[tilespmem:$0x1F850] =	vst v63  }
0x60: {  	_ =	swait.ge [sflag:s7], $0x400  }
0x61: {  	s19 =	rddreg [dreg:$0xb]  }
0x62: {  	[sflag:s7] =	ssyncset.done $0x0;
	s18 =	sadd.s32 s9, s19  }
0x63: {  	[sflag:s7] =	ssyncadd.s32 $0xFFFFFC00;
	s18 =	sadd.s32 s6, s18  }
0x64: {  	[hbm4b:s18+s0] =	stream.strided.scatter [tilespmem:s3], [sflag:$0x7], $0x400, s8, s0, $0x38;
	[tilespmem:$0x1F850] =	vst v63  }
0x65: {  	s20 =	rddreg [dreg:$0x13]  }
0x66: {  	[tilespmem:s2], [sflag:$0x4] =	stream.strided.gather [hbm4b:s20+s0], $0x400, s8, s0, $0x38;
	[tilespmem:$0x1F850] =	vst v63  }
0x67: {  	_ =	swait.ge [sflag:s17], $0x400  }
0x68: {  	[sflag:s17] =	ssyncset.done $0x0  }
0x69: {  	[sflag:s17] =	ssyncadd.s32 $0xFFFFFC00  }
0x6a: {  	_ =	swait.ge [sflag:s4], $0x400  }
0x6b: {  	[sflag:s4] =	ssyncset.done $0x0  }
0x6c: {  	[sflag:s4] =	ssyncadd.s32 $0xFFFFFC00  }
0x6d: {  	[tilespmem:s3], [sflag:$0x5] =	stream.indirect.gather [spmem:s14], $0x1, s2, s8, $0xb8;
	[tilespmem:$0x1F850] =	vst v63  }
0x6e: {  	_ =	swait.ge [sflag:s7], $0x400  }
0x6f: {  	s21 =	rddreg [dreg:$0xc]  }
0x70: {  	[sflag:s7] =	ssyncset.done $0x0;
	s18 =	sadd.s32 s9, s21  }
0x71: {  	[sflag:s7] =	ssyncadd.s32 $0xFFFFFC00;
	s18 =	sadd.s32 s6, s18  }
0x72: {  	[hbm4b:s18+s0] =	stream.strided.scatter [tilespmem:s1], [sflag:$0x6], $0x400, s8, s0, $0x38;
	[tilespmem:$0x1F850] =	vst v63  }
0x73: {  	s19 =	rddreg [dreg:$0x14]  }
0x74: {  	[tilespmem:s15], [sflag:$0x3] =	stream.strided.gather [hbm4b:s19+s0], $0x400, s8, s0, $0x38;
	[tilespmem:$0x1F850] =	vst v63  }
0x75: {  	_ =	swait.ge [sflag:s16], $0x400  }
0x76: {  	[sflag:s16] =	ssyncset.done $0x0  }
0x77: {  	[sflag:s16] =	ssyncadd.s32 $0xFFFFFC00  }
0x78: {  	_ =	swait.ge [sflag:s5], $0x400  }
0x79: {  	[sflag:s5] =	ssyncset.done $0x0  }
0x7a: {  	[sflag:s5] =	ssyncadd.s32 $0xFFFFFC00  }
0x7b: {  	[tilespmem:s1], [sflag:$0x5] =	stream.indirect.gather [spmem:s14], $0x1, s15, s8, $0xb8;
	[tilespmem:$0x1F850] =	vst v63  }
0x7c: {  	_ =	swait.ge [sflag:s7], $0x400  }
0x7d: {  	s20 =	rddreg [dreg:$0xd]  }
0x7e: {  	[sflag:s7] =	ssyncset.done $0x0;
	s18 =	sadd.s32 s9, s20  }
0x7f: {  	[sflag:s7] =	ssyncadd.s32 $0xFFFFFC00;
	s18 =	sadd.s32 s6, s18  }
0x80: {  	[hbm4b:s18+s0] =	stream.strided.scatter [tilespmem:s3], [sflag:$0x7], $0x400, s8, s0, $0x38;
	[tilespmem:$0x1F850] =	vst v63  }
0x81: {  	s21 =	rddreg [dreg:$0x15]  }
0x82: {  	[tilespmem:s2], [sflag:$0x4] =	stream.strided.gather [hbm4b:s21+s0], $0x400, s8, s0, $0x38;
	[tilespmem:$0x1F850] =	vst v63  }
0x83: {  	_ =	swait.ge [sflag:s17], $0x400  }
0x84: {  	[sflag:s17] =	ssyncset.done $0x0  }
0x85: {  	[sflag:s17] =	ssyncadd.s32 $0xFFFFFC00  }
0x86: {  	_ =	swait.ge [sflag:s4], $0x400  }
0x87: {  	[sflag:s4] =	ssyncset.done $0x0  }
0x88: {  	[sflag:s4] =	ssyncadd.s32 $0xFFFFFC00  }
0x89: {  	[tilespmem:s3], [sflag:$0x5] =	stream.indirect.gather [spmem:s14], $0x1, s2, s8, $0xb8;
	[tilespmem:$0x1F850] =	vst v63  }
0x8a: {  	_ =	swait.ge [sflag:s7], $0x400  }
0x8b: {  	s19 =	rddreg [dreg:$0xe]  }
0x8c: {  	[sflag:s7] =	ssyncset.done $0x0;
	s18 =	sadd.s32 s9, s19  }
0x8d: {  	[sflag:s7] =	ssyncadd.s32 $0xFFFFFC00;
	s18 =	sadd.s32 s6, s18  }
0x8e: {  	[hbm4b:s18+s0] =	stream.strided.scatter [tilespmem:s1], [sflag:$0x6], $0x400, s8, s0, $0x38;
	[tilespmem:$0x1F850] =	vst v63  }
0x8f: {  	_ = 	snop  }
0x90: {  	[tilespmem:s15], [sflag:$0x3] =	stream.strided.gather [hbm4b:s22+s0], $0x400, s8, s0, $0x38;
	[tilespmem:$0x1F850] =	vst v63  }
0x91: {  	_ =	swait.ge [sflag:s16], $0x400  }
0x92: {  	[sflag:s16] =	ssyncset.done $0x0  }
0x93: {  	[sflag:s16] =	ssyncadd.s32 $0xFFFFFC00  }
0x94: {  	_ =	swait.ge [sflag:s5], $0x400  }
0x95: {  	[sflag:s5] =	ssyncset.done $0x0  }
0x96: {  	[sflag:s5] =	ssyncadd.s32 $0xFFFFFC00  }
0x97: {  	[tilespmem:s1], [sflag:$0x5] =	stream.indirect.gather [spmem:s14], $0x1, s15, s8, $0xb8;
	[tilespmem:$0x1F850] =	vst v63  }
0x98: {  	_ =	swait.ge [sflag:s7], $0x400  }
0x99: {  	s20 =	sadd.s32 s9, s26;
	[sflag:s7] =	ssyncset.done $0x0  }
0x9a: {  	s18 =	sadd.s32 s6, s20;
	[sflag:s7] =	ssyncadd.s32 $0xFFFFFC00  }
0x9b: {  	[hbm4b:s18+s0] =	stream.strided.scatter [tilespmem:s3], [sflag:$0x7], $0x400, s8, s0, $0x38;
	[tilespmem:$0x1F850] =	vst v63  }
0x9c: {  	_ = 	snop  }
0x9d: {  	[tilespmem:s2], [sflag:$0x4] =	stream.strided.gather [hbm4b:s23+s0], $0x400, s8, s0, $0x38;
	[tilespmem:$0x1F850] =	vst v63  }
0x9e: {  	_ =	swait.ge [sflag:s17], $0x400  }
0x9f: {  	[sflag:s17] =	ssyncset.done $0x0  }
0xa0: {  	[sflag:s17] =	ssyncadd.s32 $0xFFFFFC00  }
0xa1: {  	_ =	swait.ge [sflag:s4], $0x400  }
0xa2: {  	[sflag:s4] =	ssyncset.done $0x0  }
0xa3: {  	[sflag:s4] =	ssyncadd.s32 $0xFFFFFC00  }
0xa4: {  	[tilespmem:s3], [sflag:$0x5] =	stream.indirect.gather [spmem:s14], $0x1, s2, s8, $0xb8;
	[tilespmem:$0x1F850] =	vst v63  }
0xa5: {  	_ =	swait.ge [sflag:s7], $0x400  }
0xa6: {  	s21 =	sadd.s32 s9, s28;
	[sflag:s7] =	ssyncset.done $0x0  }
0xa7: {  	s18 =	sadd.s32 s6, s21;
	[sflag:s7] =	ssyncadd.s32 $0xFFFFFC00  }
0xa8: {  	[hbm4b:s18+s0] =	stream.strided.scatter [tilespmem:s1], [sflag:$0x6], $0x400, s8, s0, $0x38;
	[tilespmem:$0x1F850] =	vst v63  }
0xa9: {  	_ = 	snop  }
0xaa: {  	[tilespmem:s15], [sflag:$0x3] =	stream.strided.gather [hbm4b:s24+s0], $0x400, s8, s0, $0x38;
	[tilespmem:$0x1F850] =	vst v63  }
0xab: {  	_ =	swait.ge [sflag:s16], $0x400  }
0xac: {  	[sflag:s16] =	ssyncset.done $0x0  }
0xad: {  	[sflag:s16] =	ssyncadd.s32 $0xFFFFFC00  }
0xae: {  	_ =	swait.ge [sflag:s5], $0x400  }
0xaf: {  	[sflag:s5] =	ssyncset.done $0x0  }
0xb0: {  	[sflag:s5] =	ssyncadd.s32 $0xFFFFFC00  }
0xb1: {  	[tilespmem:s1], [sflag:$0x5] =	stream.indirect.gather [spmem:s14], $0x1, s15, s8, $0xb8;
	[tilespmem:$0x1F850] =	vst v63  }
0xb2: {  	_ =	swait.ge [sflag:s7], $0x400  }
0xb3: {  	s19 =	sadd.s32 s9, s29;
	[sflag:s7] =	ssyncset.done $0x0  }
0xb4: {  	s18 =	sadd.s32 s6, s19;
	[sflag:s7] =	ssyncadd.s32 $0xFFFFFC00  }
0xb5: {  	[hbm4b:s18+s0] =	stream.strided.scatter [tilespmem:s3], [sflag:$0x7], $0x400, s8, s0, $0x38;
	[tilespmem:$0x1F850] =	vst v63  }
0xb6: {  	_ = 	snop  }
0xb7: {  	[tilespmem:s2], [sflag:$0x4] =	stream.strided.gather [hbm4b:s25+s0], $0x400, s8, s0, $0x38;
	[tilespmem:$0x1F850] =	vst v63  }
0xb8: {  	_ =	swait.ge [sflag:s17], $0x400  }
0xb9: {  	[sflag:s17] =	ssyncset.done $0x0  }
0xba: {  	[sflag:s17] =	ssyncadd.s32 $0xFFFFFC00  }
0xbb: {  	_ =	swait.ge [sflag:s4], $0x400  }
0xbc: {  	[sflag:s4] =	ssyncset.done $0x0  }
0xbd: {  	[sflag:s4] =	ssyncadd.s32 $0xFFFFFC00  }
0xbe: {  	[tilespmem:s3], [sflag:$0x5] =	stream.indirect.gather [spmem:s14], $0x1, s2, s8, $0xb8;
	[tilespmem:$0x1F850] =	vst v63  }
0xbf: {  	_ =	swait.ge [sflag:s7], $0x400  }
0xc0: {  	s20 =	sadd.s32 s9, s30;
	[sflag:s7] =	ssyncset.done $0x0  }
0xc1: {  	s14 =	sadd.s32 s6, s20;
	[sflag:s7] =	ssyncadd.s32 $0xFFFFFC00  }
0xc2: {  	[hbm4b:s14+s0] =	stream.strided.scatter [tilespmem:s1], [sflag:$0x6], $0x400, s8, s0, $0x38;
	[tilespmem:$0x1F850] =	vst v63  }
0xc3: {  	s13 =	sadd.s32 $0x1, s13;
	s21 =	rddreg [dreg:$0x9]  }
0xc4: {  	[tilespmem:s15], [sflag:$0x3] =	stream.strided.gather [hbm4b:s21+s0], $0x400, s8, s0, $0x38;
	[tilespmem:$0x1F850] =	vst v63  }
0xc5: {  	p2 =	sne.s32 s13, $0x20;
	_ =	swait.ge [sflag:s7], $0x400  }
.Ltmp3:
0xc6: {  	s9 =	sadd.s32 s9, s31;
	[sflag:s7] =	ssyncset.done $0x0;
	(pc) =	sbr.rel @!p2 .LBB2_7-.Ltmp3, $4  }
0xc7: {  	s9 =	sadd.s32 s6, s9;
	[sflag:s7] =	ssyncadd.s32 $0xFFFFFC00  }
0xc8: {  	[hbm4b:s9+s0] =	stream.strided.scatter [tilespmem:s3], [sflag:$0x7], $0x400, s8, s0, $0x38;
	[tilespmem:$0x1F850] =	vst v63  }
0xc9: {  	[bflag:$0x0] =	sbarrier.arrive $0xFFFF  }
0xca: {  	s12 =	sadd.s32 $0x10, s12;
	s11 =	sadd.s32 $0x80, s11;
	s10 =	sadd.s32 $0x800, s10  }
.LBB2_2:
0xcb: {  	s9 =	sand.u32 $0x1, s13  }
0xcc: {  	p2 =	seq.s32 s9, $0x1  }
.Ltmp4:
0xcd: {  	_ = 	snop;
	(pc) =	sbr.rel @p2 .LBB2_4-.Ltmp4, $1  }
0xce: {  	_ =	sdelay $0x3  }
0xcf: {  	s9 =	rddreg [dreg:$0x7]  }
0xd0: {  	s9 =	sadd.s32 s13, s9  }
0xd1: {  	s14 =	simm.s32 @p1 $0x1;
	s9 =	sshrl.u32 @p1 s9, $0x3  }
0xd2: {  	_ =	swait.ge @p1 [sflag:s14], $0x1E850;
	s9 =	smul.u32 @p1 $0x7A1400, s9  }
0xd3: {  	s18 =	sand.u32 @p1 $0x300, s11;
	[sflag:s14] =	ssyncset.done @p1 $0x0  }
0xd4: {  	[sflag:s14] =	ssyncadd.s32 @p1 $0xFFFE17B0;
	s9 =	sor.u32 @p1 s9, s18  }
0xd5: {  	[bflag:$0x0] =	sbarrier.arrive @p1 $0xFFFF;
	s9 =	sor.u32 @p1 $0x80, s9  }
0xd6: {  	s19 =	simm.s32 @p1 $0x10;
	s18 =	rddreg [dreg:$0x0];
	s9 =	sshrl.u32 @p1 s9, $0x3  }
0xd7: {  	s20 =	simm.s32 @p1 $0x80;
	s9 =	sadd.s32 @p1 s18, s9;
	s18 =	rddreg [dreg:$0x4]  }
0xd8: {  	s21 =	simm.s32 @p1 $0x1C02;
	p2 =	seq.s32 s13, $0x0;
	s18 =	sshrl.u32 @p1 s18, $0x3  }
0xd9: {  	[spmem:s18@s19], [sflag:s21] =	dma.strided @p1 [hbm:s9@s20], $0x1E850, s14, $0x10   }
0xda: {  	s9 =	simm.s32 @!p2 $0x6;
	[bflag:$0x0] =	sbarrier.arrive @!p1 $0xFFFF  }
0xdb: {  	_ =	swait.ge @!p2 [sflag:s9], $0x400  }
0xdc: {  	[sflag:s9] =	ssyncset.done @!p2 $0x0  }
0xdd: {  	[sflag:s9] =	ssyncadd.s32 @!p2 $0xFFFFFC00  }
0xde: {  	_ =	swait.ge [sflag:s5], $0x400  }
0xdf: {  	[sflag:s5] =	ssyncset.done $0x0  }
0xe0: {  	[sflag:s5] =	ssyncadd.s32 $0xFFFFFC00  }
0xe1: {  	s14 =	rddreg [dreg:$0x3]  }
0xe2: {  	[tilespmem:s1], [sflag:$0x5] =	stream.indirect.gather [spmem:s14], $0x1, s15, s8, $0xb8;
	[tilespmem:$0x1F850] =	vst v63  }
.Ltmp5:
0xe3: {  	_ = 	snop;
	(pc) =	sbr.rel @!p2 .LBB2_5-.Ltmp5, $4  }
.Ltmp6:
0xe4: {  	s21 =	rddreg [dreg:$0xa];
	(pc) =	sbr.rel @p2 .LBB2_6-.Ltmp6, $4  }
0xe5: {  	s9 =	sadd.s32 s6, s21  }
0xe6: {  	[tilespmem:s2], [sflag:$0x4] =	stream.strided.gather [hbm4b:s9+s0], $0x400, s8, s0, $0x38;
	[tilespmem:$0x1F850] =	vst v63  }
0xe7: {  	s9 =	simm.s32 $0x60  }
0xe8: {  	_ = 	snop  }
.LBB2_8:
0xe9: {  	_ =	sfence.sel $0x180000  }
0xea: {  	[bflag:$0x0] =	sbarrier.arrive $0xFFFF  }
0xeb: {  	_ =	strace $0x90000047  }
0xec: {  	[bflag:$0x2] =	sbarrier.arrive $0xFFFF  }
0xed: {  	s0 =	rddreg [dreg:$0x5]  }
0xee: {  	s0 =	sadd.s32 @!p0 $0x100000, s0  }
0xef: {  	[sflag:s0] =	ssyncadd.tile.s32 @!p0 $0x1;
	_ =	shalt  }
.Lfunc_end2:
_tile_overlayer_lowered:
.L_overlay_start_2:
0xf0: {  	(tag) =	ssettag $0x2  }
0xf1: {  	s0 =	rddreg [dreg:$0x0];
	s2 =	stileid.u32  }
0xf2: {  	s1 =	rddreg [dreg:$0x1];
	p0 =	sne.s32 s2, $0x0  }
0xf3: {  	s3 =	rddreg [dreg:$0x2];
	[bflag:$0x3] =	sbarrier.arrive $0xFFFF;
	s2 =	simm.s32 @!p0 $0x1C08  }
0xf4: {  	[timem:s3], [sflag:s2] =	dma.local @!p0 [hbm:s0], s1  }
0xf5: {  	s0 =	simm.s32 @!p0 $0x8  }
0xf6: {  	_ =	swait.ge @!p0 [sflag:s0], s1  }
0xf7: {  	s1 =	ssub.s32 @!p0 $0x0, s1;
	[sflag:s0] =	ssyncset.done @!p0 $0x0  }
0xf8: {  	[sflag:s0] =	ssyncadd.s32 @!p0 s1  }
0xf9: {  	[bflag:$0x3] =	sbarrier.arrive $0xFFFF  }
0xfa: {  	_ =	shalt  }

</sc_bundles>
